<compile_context>
chip_gen: v7x
topology: tpu7x:2x2x1
jax: 0.10.2.dev20260603
libtpu: 0.0.44.dev20260713+nightly
codegen_flags: <defaults>
</compile_context>

<pallas_src>
import functools

import jax
import jax.numpy as jnp
from jax import lax
from jax.experimental import pallas as pl
from jax.experimental.pallas import tpu as pltpu
from jax.experimental.pallas import tpu_sc as plsc

B = 16384
F = 26
K = 13
V = 1000000

_info = plsc.get_sparse_core_info()
_NC, _NS = _info.num_cores, _info.num_subcores
_NW = _NC * _NS
_BW = B // _NW
_NIDX = F * _BW
_NCHUNK = _BW // 16

_mesh = plsc.VectorSubcoreMesh(core_axis_name="c", subcore_axis_name="s")


@functools.partial(
    pl.kernel,
    out_type=jax.ShapeDtypeStruct((B,), jnp.float32),
    mesh=_mesh,
    scratch_types=[
        pltpu.VMEM((_NIDX,), jnp.int32),
        pltpu.VMEM((_NIDX,), jnp.float32),
        pltpu.VMEM((_BW,), jnp.float32),
        [pltpu.SemaphoreType.DMA] * 4,
    ],
)
def _sc_gather_sum(idx_hbm, table_hbm, out_hbm,
                   idx_v, vals_v, acc_v, sems):
    wid = lax.axis_index("s") * _NC + lax.axis_index("c")

    pltpu.sync_copy(idx_hbm.at[wid], idx_v)

    table_flat = table_hbm.at[0]
    _FQ = (0, 6, 13, 19, F)
    parts = []
    for q in range(4):
        sl = pl.ds(_FQ[q] * _BW, (_FQ[q + 1] - _FQ[q]) * _BW)
        parts.append(pltpu.make_async_copy(
            table_flat.at[idx_v.at[sl]], vals_v.at[sl], sems[q]))
    for q in range(4):
        parts[q].start()

    for q in range(4):
        parts[q].wait()

        def chunk(c, carry, q=q):
            if q == 0:
                acc = vals_v[pl.ds(c * 16, 16)]
                f0 = 1
            else:
                acc = acc_v[pl.ds(c * 16, 16)]
                f0 = _FQ[q]
            for f in range(f0, _FQ[q + 1]):
                acc = acc + vals_v[pl.ds(f * _BW + c * 16, 16)]
            acc_v[pl.ds(c * 16, 16)] = acc
            return carry

        lax.fori_loop(0, _NCHUNK, chunk, 0)

    pltpu.sync_copy(acc_v, out_hbm.at[pl.ds(wid * _BW, _BW)])


_R2 = 128


def _tc_combine_body(cat_ref, numt_ref, w_ref, b_ref, out_ref):
    acc = cat_ref[...] + b_ref[0]
    for k in range(K):
        acc = acc + numt_ref[k] * w_ref[0, k]
    out_ref[...] = acc


def _tc_combine(cat_sums, num_t, num_linear, bias):
    return pl.pallas_call(
        _tc_combine_body,
        out_shape=jax.ShapeDtypeStruct((_R2, _R2), jnp.float32),
        in_specs=[
            pl.BlockSpec((_R2, _R2), lambda: (0, 0)),
            pl.BlockSpec((K, _R2, _R2), lambda: (0, 0, 0)),
            pl.BlockSpec(memory_space=pltpu.SMEM),
            pl.BlockSpec(memory_space=pltpu.SMEM),
        ],
        out_specs=pl.BlockSpec((_R2, _R2), lambda: (0, 0)),
    )(cat_sums.reshape(_R2, _R2), num_t.reshape(K, _R2, _R2),
      num_linear, bias)


def kernel(cat_features, num_features, cat_linear_weight, num_linear, bias):
    cat = cat_features.astype(jnp.int32)
    idx_r = (cat.reshape(_NW, _BW, F).transpose(0, 2, 1)
             .reshape(_NW, _NIDX))
    table2 = cat_linear_weight.astype(jnp.float32).reshape(1, V)
    cat_sums = _sc_gather_sum(idx_r, table2)
    num_t = num_features.astype(jnp.float32).T
    out = _tc_combine(cat_sums, num_t, num_linear.astype(jnp.float32),
                      bias.astype(jnp.float32))
    return out.reshape(B, 1)

# --- scband reference (transcript-rebuilt; emitter-appended) ---
"""Pipeline reference for scband-linear-model-57234734186672 (READ-ONLY COPY).

The authoritative reference and input builder live on the scoring server;
editing this copy changes nothing except your own understanding.
"""

import jax, jax.numpy as jnp
import numpy as np

B = 16384
NUM_FIELDS = 26
VOCAB = 1000000
NUM_NUMERICAL = 13


def setup_inputs(seed: int = 0) -> dict:
    key = jax.random.key(seed)
    k1, k2, k3, k4 = jax.random.split(key, 4)
    cat_features = jax.random.randint(k1, (B, NUM_FIELDS), 0, VOCAB, dtype=jnp.int64)
    num_features = jax.random.normal(k2, (B, NUM_NUMERICAL), dtype=jnp.float32)
    # parameters: nn.Embedding(num_categorical, 1) weight, xavier-init num_linear, bias
    cat_linear_weight = jax.random.normal(k3, (VOCAB, 1), dtype=jnp.float32)
    # xavier uniform for (1, NUM_NUMERICAL)
    limit = float(np.sqrt(6.0 / (1 + NUM_NUMERICAL)))
    num_linear = jax.random.uniform(k4, (1, NUM_NUMERICAL), dtype=jnp.float32, minval=-limit, maxval=limit)
    bias = jnp.zeros((1,), dtype=jnp.float32)
    return {
        "cat_features": cat_features,
        "num_features": num_features,
        "cat_linear_weight": cat_linear_weight,
        "num_linear": num_linear,
        "bias": bias,
    }


def reference(cat_features, num_features, cat_linear_weight, num_linear, bias):
    # embedding lookup: [B, F] -> [B, F, 1]
    linear_weights = jnp.take(cat_linear_weight, cat_features, axis=0)
    # einsum('ik,jk->ikj', num_features[B,K], num_linear[1,K]) -> [B, K, 1]
    num_linear_weights = jnp.einsum('ik,jk->ikj', num_features, num_linear)
    linear_weights = jnp.concatenate([linear_weights, num_linear_weights], axis=1)
    return linear_weights.sum(axis=1) + bias

if __name__ == "__main__":
    import jax
    _d = setup_inputs()
    print(jax.jit(kernel)(*tuple(_d.values())))

</pallas_src>

<mosaic_0001>
#map = affine_map<(d0, d1) -> (0, 0)>
#map1 = affine_map<(d0, d1) -> (0)>
module attributes {stable_mosaic.version = 14 : i64} {
  func.func @_sc_gather_sum(%arg0: i32, %arg1: i32, %arg2: memref<32x13312xi32, #tpu.memory_space<hbm>>, %arg3: memref<1x1000000xf32, #tpu.memory_space<hbm>>, %arg4: memref<16384xf32, #tpu.memory_space<hbm>>, %arg5: memref<13312xi32, #tpu.memory_space<vmem>>, %arg6: memref<13312xf32, #tpu.memory_space<vmem>>, %arg7: memref<512xf32, #tpu.memory_space<vmem>>, %arg8: memref<!tpu.dma_semaphore, #tpu.memory_space<semaphore_mem>>, %arg9: memref<!tpu.dma_semaphore, #tpu.memory_space<semaphore_mem>>, %arg10: memref<!tpu.dma_semaphore, #tpu.memory_space<semaphore_mem>>, %arg11: memref<!tpu.dma_semaphore, #tpu.memory_space<semaphore_mem>>) attributes {dimension_semantics = [#tpu.dimension_semantics<core_parallel>, #tpu.dimension_semantics<subcore_parallel>], iteration_bounds = array<i64: 2, 16>, scalar_prefetch = 0 : i64, scratch_operands = 7 : i64, tpu.core_type = #tpu.core_type<sc_vector_subcore>, window_params = [{transform_indices = #map}, {transform_indices = #map}, {transform_indices = #map1}]} {
    %mul3A = arith.constant 2 : i32
    %mul3A_0 = arith.muli %arg1, %mul3A : i32
    %add3A = arith.addi %mul3A_0, %arg0 : i32
    "tpu.region"() ({
      %run_scoped3A = tpu.sem_alloc : memref<!tpu.dma_semaphore, #tpu.memory_space<semaphore_mem>>
      %dma_start3A_104 = arith.constant 0 : i32
      %dma_start3A_105 = tpu.memref_slice %arg2[%add3A, %dma_start3A_104] : memref<32x13312xi32, #tpu.memory_space<hbm>> -> memref<1x13312xi32, #tpu.memory_space<hbm>>
      %dma_start3A_106 = tpu.memref_squeeze %dma_start3A_105 : memref<1x13312xi32, #tpu.memory_space<hbm>> -> memref<13312xi32, #tpu.memory_space<hbm>>
      %dma_start3A_107 = arith.constant 0 : i32
      %dma_start3A_108 = tpu.memref_slice %arg2[%add3A, %dma_start3A_107] : memref<32x13312xi32, #tpu.memory_space<hbm>> -> memref<1x13312xi32, #tpu.memory_space<hbm>>
      %dma_start3A_109 = tpu.memref_squeeze %dma_start3A_108 : memref<1x13312xi32, #tpu.memory_space<hbm>> -> memref<13312xi32, #tpu.memory_space<hbm>>
      tpu.enqueue_dma source(%dma_start3A_109 : memref<13312xi32, #tpu.memory_space<hbm>>) target(%arg5 : memref<13312xi32, #tpu.memory_space<vmem>>) target_semaphore(%run_scoped3A : memref<!tpu.dma_semaphore, #tpu.memory_space<semaphore_mem>>)
      %dma_wait3A_110 = arith.constant 0 : i32
      %dma_wait3A_111 = tpu.memref_slice %arg2[%add3A, %dma_wait3A_110] : memref<32x13312xi32, #tpu.memory_space<hbm>> -> memref<1x13312xi32, #tpu.memory_space<hbm>>
      %dma_wait3A_112 = tpu.memref_squeeze %dma_wait3A_111 : memref<1x13312xi32, #tpu.memory_space<hbm>> -> memref<13312xi32, #tpu.memory_space<hbm>>
      %dma_wait3A_113 = arith.constant 0 : i32
      %dma_wait3A_114 = tpu.memref_slice %arg2[%add3A, %dma_wait3A_113] : memref<32x13312xi32, #tpu.memory_space<hbm>> -> memref<1x13312xi32, #tpu.memory_space<hbm>>
      %dma_wait3A_115 = tpu.memref_squeeze %dma_wait3A_114 : memref<1x13312xi32, #tpu.memory_space<hbm>> -> memref<13312xi32, #tpu.memory_space<hbm>>
      tpu.wait_dma2 semaphore(%run_scoped3A : memref<!tpu.dma_semaphore, #tpu.memory_space<semaphore_mem>>) src(%dma_wait3A_115 : memref<13312xi32, #tpu.memory_space<hbm>>) dst(%arg5 : memref<13312xi32, #tpu.memory_space<vmem>>)
      tpu.yield
    }) : () -> ()
    %dma_start3A = arith.constant 0 : i32
    %dma_start3A_1 = arith.constant 0 : i32
    %dma_start3A_2 = tpu.memref_slice %arg6[%dma_start3A_1] : memref<13312xf32, #tpu.memory_space<vmem>> -> memref<3072xf32, #tpu.memory_space<vmem>>
    %dma_start3A_3 = arith.constant 0 : i32
    %dma_start3A_4 = tpu.memref_slice %arg5[%dma_start3A_3] : memref<13312xi32, #tpu.memory_space<vmem>> -> memref<3072xi32, #tpu.memory_space<vmem>>
    %dma_start3A_5 = arith.constant 0 : i32
    %dma_start3A_6 = tpu.memref_slice %arg3[%dma_start3A, %dma_start3A_5] : memref<1x1000000xf32, #tpu.memory_space<hbm>> -> memref<1x1000000xf32, #tpu.memory_space<hbm>>
    %dma_start3A_7 = tpu.memref_squeeze %dma_start3A_6 : memref<1x1000000xf32, #tpu.memory_space<hbm>> -> memref<1000000xf32, #tpu.memory_space<hbm>>
    %dma_start3A_8 = arith.constant 0 : i32
    %dma_start3A_9 = tpu.memref_slice %dma_start3A_7[%dma_start3A_8] : memref<1000000xf32, #tpu.memory_space<hbm>> -> memref<1000000xf32, #tpu.memory_space<hbm>>
    tpu.enqueue_indirect_dma source(%dma_start3A_9 : memref<1000000xf32, #tpu.memory_space<hbm>>) target(%dma_start3A_2 : memref<3072xf32, #tpu.memory_space<vmem>>) offsets(%dma_start3A_4 : memref<3072xi32, #tpu.memory_space<vmem>>) semaphore(%arg8 : memref<!tpu.dma_semaphore, #tpu.memory_space<semaphore_mem>>)
    %dma_start3A_10 = arith.constant 0 : i32
    %dma_start3A_11 = arith.constant 3072 : i32
    %dma_start3A_12 = tpu.memref_slice %arg6[%dma_start3A_11] : memref<13312xf32, #tpu.memory_space<vmem>> -> memref<3584xf32, #tpu.memory_space<vmem>>
    %dma_start3A_13 = arith.constant 3072 : i32
    %dma_start3A_14 = tpu.memref_slice %arg5[%dma_start3A_13] : memref<13312xi32, #tpu.memory_space<vmem>> -> memref<3584xi32, #tpu.memory_space<vmem>>
    %dma_start3A_15 = arith.constant 0 : i32
    %dma_start3A_16 = tpu.memref_slice %arg3[%dma_start3A_10, %dma_start3A_15] : memref<1x1000000xf32, #tpu.memory_space<hbm>> -> memref<1x1000000xf32, #tpu.memory_space<hbm>>
    %dma_start3A_17 = tpu.memref_squeeze %dma_start3A_16 : memref<1x1000000xf32, #tpu.memory_space<hbm>> -> memref<1000000xf32, #tpu.memory_space<hbm>>
    %dma_start3A_18 = arith.constant 0 : i32
    %dma_start3A_19 = tpu.memref_slice %dma_start3A_17[%dma_start3A_18] : memref<1000000xf32, #tpu.memory_space<hbm>> -> memref<1000000xf32, #tpu.memory_space<hbm>>
    tpu.enqueue_indirect_dma source(%dma_start3A_19 : memref<1000000xf32, #tpu.memory_space<hbm>>) target(%dma_start3A_12 : memref<3584xf32, #tpu.memory_space<vmem>>) offsets(%dma_start3A_14 : memref<3584xi32, #tpu.memory_space<vmem>>) semaphore(%arg9 : memref<!tpu.dma_semaphore, #tpu.memory_space<semaphore_mem>>)
    %dma_start3A_20 = arith.constant 0 : i32
    %dma_start3A_21 = arith.constant 6656 : i32
    %dma_start3A_22 = tpu.memref_slice %arg6[%dma_start3A_21] : memref<13312xf32, #tpu.memory_space<vmem>> -> memref<3072xf32, #tpu.memory_space<vmem>>
    %dma_start3A_23 = arith.constant 6656 : i32
    %dma_start3A_24 = tpu.memref_slice %arg5[%dma_start3A_23] : memref<13312xi32, #tpu.memory_space<vmem>> -> memref<3072xi32, #tpu.memory_space<vmem>>
    %dma_start3A_25 = arith.constant 0 : i32
    %dma_start3A_26 = tpu.memref_slice %arg3[%dma_start3A_20, %dma_start3A_25] : memref<1x1000000xf32, #tpu.memory_space<hbm>> -> memref<1x1000000xf32, #tpu.memory_space<hbm>>
    %dma_start3A_27 = tpu.memref_squeeze %dma_start3A_26 : memref<1x1000000xf32, #tpu.memory_space<hbm>> -> memref<1000000xf32, #tpu.memory_space<hbm>>
    %dma_start3A_28 = arith.constant 0 : i32
    %dma_start3A_29 = tpu.memref_slice %dma_start3A_27[%dma_start3A_28] : memref<1000000xf32, #tpu.memory_space<hbm>> -> memref<1000000xf32, #tpu.memory_space<hbm>>
    tpu.enqueue_indirect_dma source(%dma_start3A_29 : memref<1000000xf32, #tpu.memory_space<hbm>>) target(%dma_start3A_22 : memref<3072xf32, #tpu.memory_space<vmem>>) offsets(%dma_start3A_24 : memref<3072xi32, #tpu.memory_space<vmem>>) semaphore(%arg10 : memref<!tpu.dma_semaphore, #tpu.memory_space<semaphore_mem>>)
    %dma_start3A_30 = arith.constant 0 : i32
    %dma_start3A_31 = arith.constant 9728 : i32
    %dma_start3A_32 = tpu.memref_slice %arg6[%dma_start3A_31] : memref<13312xf32, #tpu.memory_space<vmem>> -> memref<3584xf32, #tpu.memory_space<vmem>>
    %dma_start3A_33 = arith.constant 9728 : i32
    %dma_start3A_34 = tpu.memref_slice %arg5[%dma_start3A_33] : memref<13312xi32, #tpu.memory_space<vmem>> -> memref<3584xi32, #tpu.memory_space<vmem>>
    %dma_start3A_35 = arith.constant 0 : i32
    %dma_start3A_36 = tpu.memref_slice %arg3[%dma_start3A_30, %dma_start3A_35] : memref<1x1000000xf32, #tpu.memory_space<hbm>> -> memref<1x1000000xf32, #tpu.memory_space<hbm>>
    %dma_start3A_37 = tpu.memref_squeeze %dma_start3A_36 : memref<1x1000000xf32, #tpu.memory_space<hbm>> -> memref<1000000xf32, #tpu.memory_space<hbm>>
    %dma_start3A_38 = arith.constant 0 : i32
    %dma_start3A_39 = tpu.memref_slice %dma_start3A_37[%dma_start3A_38] : memref<1000000xf32, #tpu.memory_space<hbm>> -> memref<1000000xf32, #tpu.memory_space<hbm>>
    tpu.enqueue_indirect_dma source(%dma_start3A_39 : memref<1000000xf32, #tpu.memory_space<hbm>>) target(%dma_start3A_32 : memref<3584xf32, #tpu.memory_space<vmem>>) offsets(%dma_start3A_34 : memref<3584xi32, #tpu.memory_space<vmem>>) semaphore(%arg11 : memref<!tpu.dma_semaphore, #tpu.memory_space<semaphore_mem>>)
    %dma_wait3A = arith.constant 0 : i32
    %dma_wait3A_40 = arith.constant 0 : i32
    %dma_wait3A_41 = tpu.memref_slice %arg6[%dma_wait3A_40] : memref<13312xf32, #tpu.memory_space<vmem>> -> memref<3072xf32, #tpu.memory_space<vmem>>
    %dma_wait3A_42 = arith.constant 0 : i32
    %dma_wait3A_43 = tpu.memref_slice %arg5[%dma_wait3A_42] : memref<13312xi32, #tpu.memory_space<vmem>> -> memref<3072xi32, #tpu.memory_space<vmem>>
    %dma_wait3A_44 = arith.constant 0 : i32
    %dma_wait3A_45 = tpu.memref_slice %arg3[%dma_wait3A, %dma_wait3A_44] : memref<1x1000000xf32, #tpu.memory_space<hbm>> -> memref<1x1000000xf32, #tpu.memory_space<hbm>>
    %dma_wait3A_46 = tpu.memref_squeeze %dma_wait3A_45 : memref<1x1000000xf32, #tpu.memory_space<hbm>> -> memref<1000000xf32, #tpu.memory_space<hbm>>
    %dma_wait3A_47 = arith.constant 0 : i32
    %dma_wait3A_48 = tpu.memref_slice %dma_wait3A_46[%dma_wait3A_47] : memref<1000000xf32, #tpu.memory_space<hbm>> -> memref<1000000xf32, #tpu.memory_space<hbm>>
    tpu.wait_indirect_dma semaphore(%arg8 : memref<!tpu.dma_semaphore, #tpu.memory_space<semaphore_mem>>) src(%dma_wait3A_48 : memref<1000000xf32, #tpu.memory_space<hbm>>) dst(%dma_wait3A_41 : memref<3072xf32, #tpu.memory_space<vmem>>)
    %scan3A = arith.constant 0 : i32
    %scan3A_49 = arith.constant 0 : i32
    %scan3A_50 = arith.constant 32 : i32
    %scan3A_51 = arith.addi %scan3A_49, %scan3A_50 : i32
    %scan3A_52 = arith.constant 1 : i32
    scf.for %scan3A_104 = %scan3A_49 to %scan3A_51 step %scan3A_52  : i32 {
      %mul3A_105 = arith.constant 16 : i32
      %mul3A_106 = arith.muli %scan3A_104, %mul3A_105 : i32
      %get3A = arith.index_cast %mul3A_106 : i32 to index
      %get3A_107 = tpu.vector_load %arg6[%get3A] {strides = array<i32>} : memref<13312xf32, #tpu.memory_space<vmem>>, vector<16xf32>,
      %get3A_108 = vector.shape_cast %get3A_107 : vector<16xf32> to vector<16xf32>
      %mul3A_109 = arith.constant 16 : i32
      %mul3A_110 = arith.muli %scan3A_104, %mul3A_109 : i32
      %add3A_111 = arith.constant 512 : i32
      %add3A_112 = arith.addi %add3A_111, %mul3A_110 : i32
      %get3A_113 = arith.index_cast %add3A_112 : i32 to index
      %get3A_114 = tpu.vector_load %arg6[%get3A_113] {strides = array<i32>} : memref<13312xf32, #tpu.memory_space<vmem>>, vector<16xf32>,
      %get3A_115 = vector.shape_cast %get3A_114 : vector<16xf32> to vector<16xf32>
      %add3A_116 = arith.addf %get3A_108, %get3A_115 : vector<16xf32>
      %mul3A_117 = arith.constant 16 : i32
      %mul3A_118 = arith.muli %scan3A_104, %mul3A_117 : i32
      %add3A_119 = arith.constant 1024 : i32
      %add3A_120 = arith.addi %add3A_119, %mul3A_118 : i32
      %get3A_121 = arith.index_cast %add3A_120 : i32 to index
      %get3A_122 = tpu.vector_load %arg6[%get3A_121] {strides = array<i32>} : memref<13312xf32, #tpu.memory_space<vmem>>, vector<16xf32>,
      %get3A_123 = vector.shape_cast %get3A_122 : vector<16xf32> to vector<16xf32>
      %add3A_124 = arith.addf %add3A_116, %get3A_123 : vector<16xf32>
      %mul3A_125 = arith.constant 16 : i32
      %mul3A_126 = arith.muli %scan3A_104, %mul3A_125 : i32
      %add3A_127 = arith.constant 1536 : i32
      %add3A_128 = arith.addi %add3A_127, %mul3A_126 : i32
      %get3A_129 = arith.index_cast %add3A_128 : i32 to index
      %get3A_130 = tpu.vector_load %arg6[%get3A_129] {strides = array<i32>} : memref<13312xf32, #tpu.memory_space<vmem>>, vector<16xf32>,
      %get3A_131 = vector.shape_cast %get3A_130 : vector<16xf32> to vector<16xf32>
      %add3A_132 = arith.addf %add3A_124, %get3A_131 : vector<16xf32>
      %mul3A_133 = arith.constant 16 : i32
      %mul3A_134 = arith.muli %scan3A_104, %mul3A_133 : i32
      %add3A_135 = arith.constant 2048 : i32
      %add3A_136 = arith.addi %add3A_135, %mul3A_134 : i32
      %get3A_137 = arith.index_cast %add3A_136 : i32 to index
      %get3A_138 = tpu.vector_load %arg6[%get3A_137] {strides = array<i32>} : memref<13312xf32, #tpu.memory_space<vmem>>, vector<16xf32>,
      %get3A_139 = vector.shape_cast %get3A_138 : vector<16xf32> to vector<16xf32>
      %add3A_140 = arith.addf %add3A_132, %get3A_139 : vector<16xf32>
      %mul3A_141 = arith.constant 16 : i32
      %mul3A_142 = arith.muli %scan3A_104, %mul3A_141 : i32
      %add3A_143 = arith.constant 2560 : i32
      %add3A_144 = arith.addi %add3A_143, %mul3A_142 : i32
      %get3A_145 = arith.index_cast %add3A_144 : i32 to index
      %get3A_146 = tpu.vector_load %arg6[%get3A_145] {strides = array<i32>} : memref<13312xf32, #tpu.memory_space<vmem>>, vector<16xf32>,
      %get3A_147 = vector.shape_cast %get3A_146 : vector<16xf32> to vector<16xf32>
      %add3A_148 = arith.addf %add3A_140, %get3A_147 : vector<16xf32>
      %mul3A_149 = arith.constant 16 : i32
      %mul3A_150 = arith.muli %scan3A_104, %mul3A_149 : i32
      %swap3A = arith.index_cast %mul3A_150 : i32 to index
      %swap3A_151 = tpu.vector_load %arg7[%swap3A] {strides = array<i32>} : memref<512xf32, #tpu.memory_space<vmem>>, vector<16xf32>,
      %swap3A_152 = vector.shape_cast %swap3A_151 : vector<16xf32> to vector<16xf32>
      %swap3A_153 = vector.shape_cast %add3A_148 : vector<16xf32> to vector<16xf32>
      tpu.vector_store %arg7[%swap3A], %swap3A_153 {strides = array<i32>} : memref<512xf32, #tpu.memory_space<vmem>>, vector<16xf32>,
    }
    %scan3A_53 = arith.constant 32 : i32
    %dma_wait3A_54 = arith.constant 0 : i32
    %dma_wait3A_55 = arith.constant 3072 : i32
    %dma_wait3A_56 = tpu.memref_slice %arg6[%dma_wait3A_55] : memref<13312xf32, #tpu.memory_space<vmem>> -> memref<3584xf32, #tpu.memory_space<vmem>>
    %dma_wait3A_57 = arith.constant 3072 : i32
    %dma_wait3A_58 = tpu.memref_slice %arg5[%dma_wait3A_57] : memref<13312xi32, #tpu.memory_space<vmem>> -> memref<3584xi32, #tpu.memory_space<vmem>>
    %dma_wait3A_59 = arith.constant 0 : i32
    %dma_wait3A_60 = tpu.memref_slice %arg3[%dma_wait3A_54, %dma_wait3A_59] : memref<1x1000000xf32, #tpu.memory_space<hbm>> -> memref<1x1000000xf32, #tpu.memory_space<hbm>>
    %dma_wait3A_61 = tpu.memref_squeeze %dma_wait3A_60 : memref<1x1000000xf32, #tpu.memory_space<hbm>> -> memref<1000000xf32, #tpu.memory_space<hbm>>
    %dma_wait3A_62 = arith.constant 0 : i32
    %dma_wait3A_63 = tpu.memref_slice %dma_wait3A_61[%dma_wait3A_62] : memref<1000000xf32, #tpu.memory_space<hbm>> -> memref<1000000xf32, #tpu.memory_space<hbm>>
    tpu.wait_indirect_dma semaphore(%arg9 : memref<!tpu.dma_semaphore, #tpu.memory_space<semaphore_mem>>) src(%dma_wait3A_63 : memref<1000000xf32, #tpu.memory_space<hbm>>) dst(%dma_wait3A_56 : memref<3584xf32, #tpu.memory_space<vmem>>)
    %scan3A_64 = arith.constant 0 : i32
    %scan3A_65 = arith.constant 0 : i32
    %scan3A_66 = arith.constant 32 : i32
    %scan3A_67 = arith.addi %scan3A_65, %scan3A_66 : i32
    %scan3A_68 = arith.constant 1 : i32
    scf.for %scan3A_104 = %scan3A_65 to %scan3A_67 step %scan3A_68  : i32 {
      %mul3A_105 = arith.constant 16 : i32
      %mul3A_106 = arith.muli %scan3A_104, %mul3A_105 : i32
      %get3A = arith.index_cast %mul3A_106 : i32 to index
      %get3A_107 = tpu.vector_load %arg7[%get3A] {strides = array<i32>} : memref<512xf32, #tpu.memory_space<vmem>>, vector<16xf32>,
      %get3A_108 = vector.shape_cast %get3A_107 : vector<16xf32> to vector<16xf32>
      %mul3A_109 = arith.constant 16 : i32
      %mul3A_110 = arith.muli %scan3A_104, %mul3A_109 : i32
      %add3A_111 = arith.constant 3072 : i32
      %add3A_112 = arith.addi %add3A_111, %mul3A_110 : i32
      %get3A_113 = arith.index_cast %add3A_112 : i32 to index
      %get3A_114 = tpu.vector_load %arg6[%get3A_113] {strides = array<i32>} : memref<13312xf32, #tpu.memory_space<vmem>>, vector<16xf32>,
      %get3A_115 = vector.shape_cast %get3A_114 : vector<16xf32> to vector<16xf32>
      %add3A_116 = arith.addf %get3A_108, %get3A_115 : vector<16xf32>
      %mul3A_117 = arith.constant 16 : i32
      %mul3A_118 = arith.muli %scan3A_104, %mul3A_117 : i32
      %add3A_119 = arith.constant 3584 : i32
      %add3A_120 = arith.addi %add3A_119, %mul3A_118 : i32
      %get3A_121 = arith.index_cast %add3A_120 : i32 to index
      %get3A_122 = tpu.vector_load %arg6[%get3A_121] {strides = array<i32>} : memref<13312xf32, #tpu.memory_space<vmem>>, vector<16xf32>,
      %get3A_123 = vector.shape_cast %get3A_122 : vector<16xf32> to vector<16xf32>
      %add3A_124 = arith.addf %add3A_116, %get3A_123 : vector<16xf32>
      %mul3A_125 = arith.constant 16 : i32
      %mul3A_126 = arith.muli %scan3A_104, %mul3A_125 : i32
      %add3A_127 = arith.constant 4096 : i32
      %add3A_128 = arith.addi %add3A_127, %mul3A_126 : i32
      %get3A_129 = arith.index_cast %add3A_128 : i32 to index
      %get3A_130 = tpu.vector_load %arg6[%get3A_129] {strides = array<i32>} : memref<13312xf32, #tpu.memory_space<vmem>>, vector<16xf32>,
      %get3A_131 = vector.shape_cast %get3A_130 : vector<16xf32> to vector<16xf32>
      %add3A_132 = arith.addf %add3A_124, %get3A_131 : vector<16xf32>
      %mul3A_133 = arith.constant 16 : i32
      %mul3A_134 = arith.muli %scan3A_104, %mul3A_133 : i32
      %add3A_135 = arith.constant 4608 : i32
      %add3A_136 = arith.addi %add3A_135, %mul3A_134 : i32
      %get3A_137 = arith.index_cast %add3A_136 : i32 to index
      %get3A_138 = tpu.vector_load %arg6[%get3A_137] {strides = array<i32>} : memref<13312xf32, #tpu.memory_space<vmem>>, vector<16xf32>,
      %get3A_139 = vector.shape_cast %get3A_138 : vector<16xf32> to vector<16xf32>
      %add3A_140 = arith.addf %add3A_132, %get3A_139 : vector<16xf32>
      %mul3A_141 = arith.constant 16 : i32
      %mul3A_142 = arith.muli %scan3A_104, %mul3A_141 : i32
      %add3A_143 = arith.constant 5120 : i32
      %add3A_144 = arith.addi %add3A_143, %mul3A_142 : i32
      %get3A_145 = arith.index_cast %add3A_144 : i32 to index
      %get3A_146 = tpu.vector_load %arg6[%get3A_145] {strides = array<i32>} : memref<13312xf32, #tpu.memory_space<vmem>>, vector<16xf32>,
      %get3A_147 = vector.shape_cast %get3A_146 : vector<16xf32> to vector<16xf32>
      %add3A_148 = arith.addf %add3A_140, %get3A_147 : vector<16xf32>
      %mul3A_149 = arith.constant 16 : i32
      %mul3A_150 = arith.muli %scan3A_104, %mul3A_149 : i32
      %add3A_151 = arith.constant 5632 : i32
      %add3A_152 = arith.addi %add3A_151, %mul3A_150 : i32
      %get3A_153 = arith.index_cast %add3A_152 : i32 to index
      %get3A_154 = tpu.vector_load %arg6[%get3A_153] {strides = array<i32>} : memref<13312xf32, #tpu.memory_space<vmem>>, vector<16xf32>,
      %get3A_155 = vector.shape_cast %get3A_154 : vector<16xf32> to vector<16xf32>
      %add3A_156 = arith.addf %add3A_148, %get3A_155 : vector<16xf32>
      %mul3A_157 = arith.constant 16 : i32
      %mul3A_158 = arith.muli %scan3A_104, %mul3A_157 : i32
      %add3A_159 = arith.constant 6144 : i32
      %add3A_160 = arith.addi %add3A_159, %mul3A_158 : i32
      %get3A_161 = arith.index_cast %add3A_160 : i32 to index
      %get3A_162 = tpu.vector_load %arg6[%get3A_161] {strides = array<i32>} : memref<13312xf32, #tpu.memory_space<vmem>>, vector<16xf32>,
      %get3A_163 = vector.shape_cast %get3A_162 : vector<16xf32> to vector<16xf32>
      %add3A_164 = arith.addf %add3A_156, %get3A_163 : vector<16xf32>
      %mul3A_165 = arith.constant 16 : i32
      %mul3A_166 = arith.muli %scan3A_104, %mul3A_165 : i32
      %swap3A = arith.index_cast %mul3A_166 : i32 to index
      %swap3A_167 = tpu.vector_load %arg7[%swap3A] {strides = array<i32>} : memref<512xf32, #tpu.memory_space<vmem>>, vector<16xf32>,
      %swap3A_168 = vector.shape_cast %swap3A_167 : vector<16xf32> to vector<16xf32>
      %swap3A_169 = vector.shape_cast %add3A_164 : vector<16xf32> to vector<16xf32>
      tpu.vector_store %arg7[%swap3A], %swap3A_169 {strides = array<i32>} : memref<512xf32, #tpu.memory_space<vmem>>, vector<16xf32>,
    }
    %scan3A_69 = arith.constant 32 : i32
    %dma_wait3A_70 = arith.constant 0 : i32
    %dma_wait3A_71 = arith.constant 6656 : i32
    %dma_wait3A_72 = tpu.memref_slice %arg6[%dma_wait3A_71] : memref<13312xf32, #tpu.memory_space<vmem>> -> memref<3072xf32, #tpu.memory_space<vmem>>
    %dma_wait3A_73 = arith.constant 6656 : i32
    %dma_wait3A_74 = tpu.memref_slice %arg5[%dma_wait3A_73] : memref<13312xi32, #tpu.memory_space<vmem>> -> memref<3072xi32, #tpu.memory_space<vmem>>
    %dma_wait3A_75 = arith.constant 0 : i32
    %dma_wait3A_76 = tpu.memref_slice %arg3[%dma_wait3A_70, %dma_wait3A_75] : memref<1x1000000xf32, #tpu.memory_space<hbm>> -> memref<1x1000000xf32, #tpu.memory_space<hbm>>
    %dma_wait3A_77 = tpu.memref_squeeze %dma_wait3A_76 : memref<1x1000000xf32, #tpu.memory_space<hbm>> -> memref<1000000xf32, #tpu.memory_space<hbm>>
    %dma_wait3A_78 = arith.constant 0 : i32
    %dma_wait3A_79 = tpu.memref_slice %dma_wait3A_77[%dma_wait3A_78] : memref<1000000xf32, #tpu.memory_space<hbm>> -> memref<1000000xf32, #tpu.memory_space<hbm>>
    tpu.wait_indirect_dma semaphore(%arg10 : memref<!tpu.dma_semaphore, #tpu.memory_space<semaphore_mem>>) src(%dma_wait3A_79 : memref<1000000xf32, #tpu.memory_space<hbm>>) dst(%dma_wait3A_72 : memref<3072xf32, #tpu.memory_space<vmem>>)
    %scan3A_80 = arith.constant 0 : i32
    %scan3A_81 = arith.constant 0 : i32
    %scan3A_82 = arith.constant 32 : i32
    %scan3A_83 = arith.addi %scan3A_81, %scan3A_82 : i32
    %scan3A_84 = arith.constant 1 : i32
    scf.for %scan3A_104 = %scan3A_81 to %scan3A_83 step %scan3A_84  : i32 {
      %mul3A_105 = arith.constant 16 : i32
      %mul3A_106 = arith.muli %scan3A_104, %mul3A_105 : i32
      %get3A = arith.index_cast %mul3A_106 : i32 to index
      %get3A_107 = tpu.vector_load %arg7[%get3A] {strides = array<i32>} : memref<512xf32, #tpu.memory_space<vmem>>, vector<16xf32>,
      %get3A_108 = vector.shape_cast %get3A_107 : vector<16xf32> to vector<16xf32>
      %mul3A_109 = arith.constant 16 : i32
      %mul3A_110 = arith.muli %scan3A_104, %mul3A_109 : i32
      %add3A_111 = arith.constant 6656 : i32
      %add3A_112 = arith.addi %add3A_111, %mul3A_110 : i32
      %get3A_113 = arith.index_cast %add3A_112 : i32 to index
      %get3A_114 = tpu.vector_load %arg6[%get3A_113] {strides = array<i32>} : memref<13312xf32, #tpu.memory_space<vmem>>, vector<16xf32>,
      %get3A_115 = vector.shape_cast %get3A_114 : vector<16xf32> to vector<16xf32>
      %add3A_116 = arith.addf %get3A_108, %get3A_115 : vector<16xf32>
      %mul3A_117 = arith.constant 16 : i32
      %mul3A_118 = arith.muli %scan3A_104, %mul3A_117 : i32
      %add3A_119 = arith.constant 7168 : i32
      %add3A_120 = arith.addi %add3A_119, %mul3A_118 : i32
      %get3A_121 = arith.index_cast %add3A_120 : i32 to index
      %get3A_122 = tpu.vector_load %arg6[%get3A_121] {strides = array<i32>} : memref<13312xf32, #tpu.memory_space<vmem>>, vector<16xf32>,
      %get3A_123 = vector.shape_cast %get3A_122 : vector<16xf32> to vector<16xf32>
      %add3A_124 = arith.addf %add3A_116, %get3A_123 : vector<16xf32>
      %mul3A_125 = arith.constant 16 : i32
      %mul3A_126 = arith.muli %scan3A_104, %mul3A_125 : i32
      %add3A_127 = arith.constant 7680 : i32
      %add3A_128 = arith.addi %add3A_127, %mul3A_126 : i32
      %get3A_129 = arith.index_cast %add3A_128 : i32 to index
      %get3A_130 = tpu.vector_load %arg6[%get3A_129] {strides = array<i32>} : memref<13312xf32, #tpu.memory_space<vmem>>, vector<16xf32>,
      %get3A_131 = vector.shape_cast %get3A_130 : vector<16xf32> to vector<16xf32>
      %add3A_132 = arith.addf %add3A_124, %get3A_131 : vector<16xf32>
      %mul3A_133 = arith.constant 16 : i32
      %mul3A_134 = arith.muli %scan3A_104, %mul3A_133 : i32
      %add3A_135 = arith.constant 8192 : i32
      %add3A_136 = arith.addi %add3A_135, %mul3A_134 : i32
      %get3A_137 = arith.index_cast %add3A_136 : i32 to index
      %get3A_138 = tpu.vector_load %arg6[%get3A_137] {strides = array<i32>} : memref<13312xf32, #tpu.memory_space<vmem>>, vector<16xf32>,
      %get3A_139 = vector.shape_cast %get3A_138 : vector<16xf32> to vector<16xf32>
      %add3A_140 = arith.addf %add3A_132, %get3A_139 : vector<16xf32>
      %mul3A_141 = arith.constant 16 : i32
      %mul3A_142 = arith.muli %scan3A_104, %mul3A_141 : i32
      %add3A_143 = arith.constant 8704 : i32
      %add3A_144 = arith.addi %add3A_143, %mul3A_142 : i32
      %get3A_145 = arith.index_cast %add3A_144 : i32 to index
      %get3A_146 = tpu.vector_load %arg6[%get3A_145] {strides = array<i32>} : memref<13312xf32, #tpu.memory_space<vmem>>, vector<16xf32>,
      %get3A_147 = vector.shape_cast %get3A_146 : vector<16xf32> to vector<16xf32>
      %add3A_148 = arith.addf %add3A_140, %get3A_147 : vector<16xf32>
      %mul3A_149 = arith.constant 16 : i32
      %mul3A_150 = arith.muli %scan3A_104, %mul3A_149 : i32
      %add3A_151 = arith.constant 9216 : i32
      %add3A_152 = arith.addi %add3A_151, %mul3A_150 : i32
      %get3A_153 = arith.index_cast %add3A_152 : i32 to index
      %get3A_154 = tpu.vector_load %arg6[%get3A_153] {strides = array<i32>} : memref<13312xf32, #tpu.memory_space<vmem>>, vector<16xf32>,
      %get3A_155 = vector.shape_cast %get3A_154 : vector<16xf32> to vector<16xf32>
      %add3A_156 = arith.addf %add3A_148, %get3A_155 : vector<16xf32>
      %mul3A_157 = arith.constant 16 : i32
      %mul3A_158 = arith.muli %scan3A_104, %mul3A_157 : i32
      %swap3A = arith.index_cast %mul3A_158 : i32 to index
      %swap3A_159 = tpu.vector_load %arg7[%swap3A] {strides = array<i32>} : memref<512xf32, #tpu.memory_space<vmem>>, vector<16xf32>,
      %swap3A_160 = vector.shape_cast %swap3A_159 : vector<16xf32> to vector<16xf32>
      %swap3A_161 = vector.shape_cast %add3A_156 : vector<16xf32> to vector<16xf32>
      tpu.vector_store %arg7[%swap3A], %swap3A_161 {strides = array<i32>} : memref<512xf32, #tpu.memory_space<vmem>>, vector<16xf32>,
    }
    %scan3A_85 = arith.constant 32 : i32
    %dma_wait3A_86 = arith.constant 0 : i32
    %dma_wait3A_87 = arith.constant 9728 : i32
    %dma_wait3A_88 = tpu.memref_slice %arg6[%dma_wait3A_87] : memref<13312xf32, #tpu.memory_space<vmem>> -> memref<3584xf32, #tpu.memory_space<vmem>>
    %dma_wait3A_89 = arith.constant 9728 : i32
    %dma_wait3A_90 = tpu.memref_slice %arg5[%dma_wait3A_89] : memref<13312xi32, #tpu.memory_space<vmem>> -> memref<3584xi32, #tpu.memory_space<vmem>>
    %dma_wait3A_91 = arith.constant 0 : i32
    %dma_wait3A_92 = tpu.memref_slice %arg3[%dma_wait3A_86, %dma_wait3A_91] : memref<1x1000000xf32, #tpu.memory_space<hbm>> -> memref<1x1000000xf32, #tpu.memory_space<hbm>>
    %dma_wait3A_93 = tpu.memref_squeeze %dma_wait3A_92 : memref<1x1000000xf32, #tpu.memory_space<hbm>> -> memref<1000000xf32, #tpu.memory_space<hbm>>
    %dma_wait3A_94 = arith.constant 0 : i32
    %dma_wait3A_95 = tpu.memref_slice %dma_wait3A_93[%dma_wait3A_94] : memref<1000000xf32, #tpu.memory_space<hbm>> -> memref<1000000xf32, #tpu.memory_space<hbm>>
    tpu.wait_indirect_dma semaphore(%arg11 : memref<!tpu.dma_semaphore, #tpu.memory_space<semaphore_mem>>) src(%dma_wait3A_95 : memref<1000000xf32, #tpu.memory_space<hbm>>) dst(%dma_wait3A_88 : memref<3584xf32, #tpu.memory_space<vmem>>)
    %scan3A_96 = arith.constant 0 : i32
    %scan3A_97 = arith.constant 0 : i32
    %scan3A_98 = arith.constant 32 : i32
    %scan3A_99 = arith.addi %scan3A_97, %scan3A_98 : i32
    %scan3A_100 = arith.constant 1 : i32
    scf.for %scan3A_104 = %scan3A_97 to %scan3A_99 step %scan3A_100  : i32 {
      %mul3A_105 = arith.constant 16 : i32
      %mul3A_106 = arith.muli %scan3A_104, %mul3A_105 : i32
      %get3A = arith.index_cast %mul3A_106 : i32 to index
      %get3A_107 = tpu.vector_load %arg7[%get3A] {strides = array<i32>} : memref<512xf32, #tpu.memory_space<vmem>>, vector<16xf32>,
      %get3A_108 = vector.shape_cast %get3A_107 : vector<16xf32> to vector<16xf32>
      %mul3A_109 = arith.constant 16 : i32
      %mul3A_110 = arith.muli %scan3A_104, %mul3A_109 : i32
      %add3A_111 = arith.constant 9728 : i32
      %add3A_112 = arith.addi %add3A_111, %mul3A_110 : i32
      %get3A_113 = arith.index_cast %add3A_112 : i32 to index
      %get3A_114 = tpu.vector_load %arg6[%get3A_113] {strides = array<i32>} : memref<13312xf32, #tpu.memory_space<vmem>>, vector<16xf32>,
      %get3A_115 = vector.shape_cast %get3A_114 : vector<16xf32> to vector<16xf32>
      %add3A_116 = arith.addf %get3A_108, %get3A_115 : vector<16xf32>
      %mul3A_117 = arith.constant 16 : i32
      %mul3A_118 = arith.muli %scan3A_104, %mul3A_117 : i32
      %add3A_119 = arith.constant 10240 : i32
      %add3A_120 = arith.addi %add3A_119, %mul3A_118 : i32
      %get3A_121 = arith.index_cast %add3A_120 : i32 to index
      %get3A_122 = tpu.vector_load %arg6[%get3A_121] {strides = array<i32>} : memref<13312xf32, #tpu.memory_space<vmem>>, vector<16xf32>,
      %get3A_123 = vector.shape_cast %get3A_122 : vector<16xf32> to vector<16xf32>
      %add3A_124 = arith.addf %add3A_116, %get3A_123 : vector<16xf32>
      %mul3A_125 = arith.constant 16 : i32
      %mul3A_126 = arith.muli %scan3A_104, %mul3A_125 : i32
      %add3A_127 = arith.constant 10752 : i32
      %add3A_128 = arith.addi %add3A_127, %mul3A_126 : i32
      %get3A_129 = arith.index_cast %add3A_128 : i32 to index
      %get3A_130 = tpu.vector_load %arg6[%get3A_129] {strides = array<i32>} : memref<13312xf32, #tpu.memory_space<vmem>>, vector<16xf32>,
      %get3A_131 = vector.shape_cast %get3A_130 : vector<16xf32> to vector<16xf32>
      %add3A_132 = arith.addf %add3A_124, %get3A_131 : vector<16xf32>
      %mul3A_133 = arith.constant 16 : i32
      %mul3A_134 = arith.muli %scan3A_104, %mul3A_133 : i32
      %add3A_135 = arith.constant 11264 : i32
      %add3A_136 = arith.addi %add3A_135, %mul3A_134 : i32
      %get3A_137 = arith.index_cast %add3A_136 : i32 to index
      %get3A_138 = tpu.vector_load %arg6[%get3A_137] {strides = array<i32>} : memref<13312xf32, #tpu.memory_space<vmem>>, vector<16xf32>,
      %get3A_139 = vector.shape_cast %get3A_138 : vector<16xf32> to vector<16xf32>
      %add3A_140 = arith.addf %add3A_132, %get3A_139 : vector<16xf32>
      %mul3A_141 = arith.constant 16 : i32
      %mul3A_142 = arith.muli %scan3A_104, %mul3A_141 : i32
      %add3A_143 = arith.constant 11776 : i32
      %add3A_144 = arith.addi %add3A_143, %mul3A_142 : i32
      %get3A_145 = arith.index_cast %add3A_144 : i32 to index
      %get3A_146 = tpu.vector_load %arg6[%get3A_145] {strides = array<i32>} : memref<13312xf32, #tpu.memory_space<vmem>>, vector<16xf32>,
      %get3A_147 = vector.shape_cast %get3A_146 : vector<16xf32> to vector<16xf32>
      %add3A_148 = arith.addf %add3A_140, %get3A_147 : vector<16xf32>
      %mul3A_149 = arith.constant 16 : i32
      %mul3A_150 = arith.muli %scan3A_104, %mul3A_149 : i32
      %add3A_151 = arith.constant 12288 : i32
      %add3A_152 = arith.addi %add3A_151, %mul3A_150 : i32
      %get3A_153 = arith.index_cast %add3A_152 : i32 to index
      %get3A_154 = tpu.vector_load %arg6[%get3A_153] {strides = array<i32>} : memref<13312xf32, #tpu.memory_space<vmem>>, vector<16xf32>,
      %get3A_155 = vector.shape_cast %get3A_154 : vector<16xf32> to vector<16xf32>
      %add3A_156 = arith.addf %add3A_148, %get3A_155 : vector<16xf32>
      %mul3A_157 = arith.constant 16 : i32
      %mul3A_158 = arith.muli %scan3A_104, %mul3A_157 : i32
      %add3A_159 = arith.constant 12800 : i32
      %add3A_160 = arith.addi %add3A_159, %mul3A_158 : i32
      %get3A_161 = arith.index_cast %add3A_160 : i32 to index
      %get3A_162 = tpu.vector_load %arg6[%get3A_161] {strides = array<i32>} : memref<13312xf32, #tpu.memory_space<vmem>>, vector<16xf32>,
      %get3A_163 = vector.shape_cast %get3A_162 : vector<16xf32> to vector<16xf32>
      %add3A_164 = arith.addf %add3A_156, %get3A_163 : vector<16xf32>
      %mul3A_165 = arith.constant 16 : i32
      %mul3A_166 = arith.muli %scan3A_104, %mul3A_165 : i32
      %swap3A = arith.index_cast %mul3A_166 : i32 to index
      %swap3A_167 = tpu.vector_load %arg7[%swap3A] {strides = array<i32>} : memref<512xf32, #tpu.memory_space<vmem>>, vector<16xf32>,
      %swap3A_168 = vector.shape_cast %swap3A_167 : vector<16xf32> to vector<16xf32>
      %swap3A_169 = vector.shape_cast %add3A_164 : vector<16xf32> to vector<16xf32>
      tpu.vector_store %arg7[%swap3A], %swap3A_169 {strides = array<i32>} : memref<512xf32, #tpu.memory_space<vmem>>, vector<16xf32>,
    }
    %scan3A_101 = arith.constant 32 : i32
    %mul3A_102 = arith.constant 512 : i32
    %mul3A_103 = arith.muli %add3A, %mul3A_102 : i32
    "tpu.region"() ({
      %run_scoped3A = tpu.sem_alloc : memref<!tpu.dma_semaphore, #tpu.memory_space<semaphore_mem>>
      %dma_start3A_104 = tpu.memref_slice %arg4[%mul3A_103] : memref<16384xf32, #tpu.memory_space<hbm>> -> memref<512xf32, #tpu.memory_space<hbm>>
      %dma_start3A_105 = tpu.memref_slice %arg4[%mul3A_103] : memref<16384xf32, #tpu.memory_space<hbm>> -> memref<512xf32, #tpu.memory_space<hbm>>
      tpu.enqueue_dma source(%arg7 : memref<512xf32, #tpu.memory_space<vmem>>) target(%dma_start3A_105 : memref<512xf32, #tpu.memory_space<hbm>>) target_semaphore(%run_scoped3A : memref<!tpu.dma_semaphore, #tpu.memory_space<semaphore_mem>>)
      %dma_wait3A_106 = tpu.memref_slice %arg4[%mul3A_103] : memref<16384xf32, #tpu.memory_space<hbm>> -> memref<512xf32, #tpu.memory_space<hbm>>
      %dma_wait3A_107 = tpu.memref_slice %arg4[%mul3A_103] : memref<16384xf32, #tpu.memory_space<hbm>> -> memref<512xf32, #tpu.memory_space<hbm>>
      tpu.wait_dma2 semaphore(%run_scoped3A : memref<!tpu.dma_semaphore, #tpu.memory_space<semaphore_mem>>) src(%arg7 : memref<512xf32, #tpu.memory_space<vmem>>) dst(%dma_wait3A_107 : memref<512xf32, #tpu.memory_space<hbm>>)
      tpu.yield
    }) : () -> ()
    return
  }
}

module attributes {stable_mosaic.version = 14 : i64} {
  func.func @_tc_combine_body(%arg0: memref<128x128xf32, #tpu.memory_space<vmem>>, %arg1: memref<13x128x128xf32, #tpu.memory_space<vmem>>, %arg2: memref<1x13xf32, #tpu.memory_space<smem>>, %arg3: memref<1xf32, #tpu.memory_space<smem>>, %arg4: memref<128x128xf32, #tpu.memory_space<vmem>>) attributes {dimension_semantics = [], scalar_prefetch = 0 : i64, scratch_operands = 0 : i64, tpu.core_type = #tpu.core_type<tc>} {
    %get3A = arith.constant 0 : index
    %get3A_0 = arith.constant 0 : index
    %get3A_1 = vector.load %arg0[%get3A, %get3A_0] : memref<128x128xf32, #tpu.memory_space<vmem>>, vector<128x128xf32>
    %get3A_2 = arith.constant 0 : index
    %get3A_3 = memref.load %arg3[%get3A_2] : memref<1xf32, #tpu.memory_space<smem>>
    %add3A = vector.broadcast %get3A_3 : f32 to vector<128x128xf32>
    %add3A_4 = arith.addf %get3A_1, %add3A : vector<128x128xf32>
    %get3A_5 = arith.constant 0 : index
    %get3A_6 = arith.constant 0 : index
    %get3A_7 = arith.constant 0 : index
    %get3A_8 = vector.load %arg1[%get3A_5, %get3A_6, %get3A_7] : memref<13x128x128xf32, #tpu.memory_space<vmem>>, vector<1x128x128xf32>
    %get3A_9 = vector.shape_cast %get3A_8 : vector<1x128x128xf32> to vector<128x128xf32>
    %get3A_10 = arith.constant 0 : index
    %get3A_11 = arith.constant 0 : index
    %get3A_12 = memref.load %arg2[%get3A_10, %get3A_11] : memref<1x13xf32, #tpu.memory_space<smem>>
    %mul3A = vector.broadcast %get3A_12 : f32 to vector<128x128xf32>
    %mul3A_13 = arith.mulf %get3A_9, %mul3A : vector<128x128xf32>
    %add3A_14 = arith.addf %add3A_4, %mul3A_13 : vector<128x128xf32>
    %get3A_15 = arith.constant 1 : index
    %get3A_16 = arith.constant 0 : index
    %get3A_17 = arith.constant 0 : index
    %get3A_18 = vector.load %arg1[%get3A_15, %get3A_16, %get3A_17] : memref<13x128x128xf32, #tpu.memory_space<vmem>>, vector<1x128x128xf32>
    %get3A_19 = vector.shape_cast %get3A_18 : vector<1x128x128xf32> to vector<128x128xf32>
    %get3A_20 = arith.constant 0 : index
    %get3A_21 = arith.constant 1 : index
    %get3A_22 = memref.load %arg2[%get3A_20, %get3A_21] : memref<1x13xf32, #tpu.memory_space<smem>>
    %mul3A_23 = vector.broadcast %get3A_22 : f32 to vector<128x128xf32>
    %mul3A_24 = arith.mulf %get3A_19, %mul3A_23 : vector<128x128xf32>
    %add3A_25 = arith.addf %add3A_14, %mul3A_24 : vector<128x128xf32>
    %get3A_26 = arith.constant 2 : index
    %get3A_27 = arith.constant 0 : index
    %get3A_28 = arith.constant 0 : index
    %get3A_29 = vector.load %arg1[%get3A_26, %get3A_27, %get3A_28] : memref<13x128x128xf32, #tpu.memory_space<vmem>>, vector<1x128x128xf32>
    %get3A_30 = vector.shape_cast %get3A_29 : vector<1x128x128xf32> to vector<128x128xf32>
    %get3A_31 = arith.constant 0 : index
    %get3A_32 = arith.constant 2 : index
    %get3A_33 = memref.load %arg2[%get3A_31, %get3A_32] : memref<1x13xf32, #tpu.memory_space<smem>>
    %mul3A_34 = vector.broadcast %get3A_33 : f32 to vector<128x128xf32>
    %mul3A_35 = arith.mulf %get3A_30, %mul3A_34 : vector<128x128xf32>
    %add3A_36 = arith.addf %add3A_25, %mul3A_35 : vector<128x128xf32>
    %get3A_37 = arith.constant 3 : index
    %get3A_38 = arith.constant 0 : index
    %get3A_39 = arith.constant 0 : index
    %get3A_40 = vector.load %arg1[%get3A_37, %get3A_38, %get3A_39] : memref<13x128x128xf32, #tpu.memory_space<vmem>>, vector<1x128x128xf32>
    %get3A_41 = vector.shape_cast %get3A_40 : vector<1x128x128xf32> to vector<128x128xf32>
    %get3A_42 = arith.constant 0 : index
    %get3A_43 = arith.constant 3 : index
    %get3A_44 = memref.load %arg2[%get3A_42, %get3A_43] : memref<1x13xf32, #tpu.memory_space<smem>>
    %mul3A_45 = vector.broadcast %get3A_44 : f32 to vector<128x128xf32>
    %mul3A_46 = arith.mulf %get3A_41, %mul3A_45 : vector<128x128xf32>
    %add3A_47 = arith.addf %add3A_36, %mul3A_46 : vector<128x128xf32>
    %get3A_48 = arith.constant 4 : index
    %get3A_49 = arith.constant 0 : index
    %get3A_50 = arith.constant 0 : index
    %get3A_51 = vector.load %arg1[%get3A_48, %get3A_49, %get3A_50] : memref<13x128x128xf32, #tpu.memory_space<vmem>>, vector<1x128x128xf32>
    %get3A_52 = vector.shape_cast %get3A_51 : vector<1x128x128xf32> to vector<128x128xf32>
    %get3A_53 = arith.constant 0 : index
    %get3A_54 = arith.constant 4 : index
    %get3A_55 = memref.load %arg2[%get3A_53, %get3A_54] : memref<1x13xf32, #tpu.memory_space<smem>>
    %mul3A_56 = vector.broadcast %get3A_55 : f32 to vector<128x128xf32>
    %mul3A_57 = arith.mulf %get3A_52, %mul3A_56 : vector<128x128xf32>
    %add3A_58 = arith.addf %add3A_47, %mul3A_57 : vector<128x128xf32>
    %get3A_59 = arith.constant 5 : index
    %get3A_60 = arith.constant 0 : index
    %get3A_61 = arith.constant 0 : index
    %get3A_62 = vector.load %arg1[%get3A_59, %get3A_60, %get3A_61] : memref<13x128x128xf32, #tpu.memory_space<vmem>>, vector<1x128x128xf32>
    %get3A_63 = vector.shape_cast %get3A_62 : vector<1x128x128xf32> to vector<128x128xf32>
    %get3A_64 = arith.constant 0 : index
    %get3A_65 = arith.constant 5 : index
    %get3A_66 = memref.load %arg2[%get3A_64, %get3A_65] : memref<1x13xf32, #tpu.memory_space<smem>>
    %mul3A_67 = vector.broadcast %get3A_66 : f32 to vector<128x128xf32>
    %mul3A_68 = arith.mulf %get3A_63, %mul3A_67 : vector<128x128xf32>
    %add3A_69 = arith.addf %add3A_58, %mul3A_68 : vector<128x128xf32>
    %get3A_70 = arith.constant 6 : index
    %get3A_71 = arith.constant 0 : index
    %get3A_72 = arith.constant 0 : index
    %get3A_73 = vector.load %arg1[%get3A_70, %get3A_71, %get3A_72] : memref<13x128x128xf32, #tpu.memory_space<vmem>>, vector<1x128x128xf32>
    %get3A_74 = vector.shape_cast %get3A_73 : vector<1x128x128xf32> to vector<128x128xf32>
    %get3A_75 = arith.constant 0 : index
    %get3A_76 = arith.constant 6 : index
    %get3A_77 = memref.load %arg2[%get3A_75, %get3A_76] : memref<1x13xf32, #tpu.memory_space<smem>>
    %mul3A_78 = vector.broadcast %get3A_77 : f32 to vector<128x128xf32>
    %mul3A_79 = arith.mulf %get3A_74, %mul3A_78 : vector<128x128xf32>
    %add3A_80 = arith.addf %add3A_69, %mul3A_79 : vector<128x128xf32>
    %get3A_81 = arith.constant 7 : index
    %get3A_82 = arith.constant 0 : index
    %get3A_83 = arith.constant 0 : index
    %get3A_84 = vector.load %arg1[%get3A_81, %get3A_82, %get3A_83] : memref<13x128x128xf32, #tpu.memory_space<vmem>>, vector<1x128x128xf32>
    %get3A_85 = vector.shape_cast %get3A_84 : vector<1x128x128xf32> to vector<128x128xf32>
    %get3A_86 = arith.constant 0 : index
    %get3A_87 = arith.constant 7 : index
    %get3A_88 = memref.load %arg2[%get3A_86, %get3A_87] : memref<1x13xf32, #tpu.memory_space<smem>>
    %mul3A_89 = vector.broadcast %get3A_88 : f32 to vector<128x128xf32>
    %mul3A_90 = arith.mulf %get3A_85, %mul3A_89 : vector<128x128xf32>
    %add3A_91 = arith.addf %add3A_80, %mul3A_90 : vector<128x128xf32>
    %get3A_92 = arith.constant 8 : index
    %get3A_93 = arith.constant 0 : index
    %get3A_94 = arith.constant 0 : index
    %get3A_95 = vector.load %arg1[%get3A_92, %get3A_93, %get3A_94] : memref<13x128x128xf32, #tpu.memory_space<vmem>>, vector<1x128x128xf32>
    %get3A_96 = vector.shape_cast %get3A_95 : vector<1x128x128xf32> to vector<128x128xf32>
    %get3A_97 = arith.constant 0 : index
    %get3A_98 = arith.constant 8 : index
    %get3A_99 = memref.load %arg2[%get3A_97, %get3A_98] : memref<1x13xf32, #tpu.memory_space<smem>>
    %mul3A_100 = vector.broadcast %get3A_99 : f32 to vector<128x128xf32>
    %mul3A_101 = arith.mulf %get3A_96, %mul3A_100 : vector<128x128xf32>
    %add3A_102 = arith.addf %add3A_91, %mul3A_101 : vector<128x128xf32>
    %get3A_103 = arith.constant 9 : index
    %get3A_104 = arith.constant 0 : index
    %get3A_105 = arith.constant 0 : index
    %get3A_106 = vector.load %arg1[%get3A_103, %get3A_104, %get3A_105] : memref<13x128x128xf32, #tpu.memory_space<vmem>>, vector<1x128x128xf32>
    %get3A_107 = vector.shape_cast %get3A_106 : vector<1x128x128xf32> to vector<128x128xf32>
    %get3A_108 = arith.constant 0 : index
    %get3A_109 = arith.constant 9 : index
    %get3A_110 = memref.load %arg2[%get3A_108, %get3A_109] : memref<1x13xf32, #tpu.memory_space<smem>>
    %mul3A_111 = vector.broadcast %get3A_110 : f32 to vector<128x128xf32>
    %mul3A_112 = arith.mulf %get3A_107, %mul3A_111 : vector<128x128xf32>
    %add3A_113 = arith.addf %add3A_102, %mul3A_112 : vector<128x128xf32>
    %get3A_114 = arith.constant 10 : index
    %get3A_115 = arith.constant 0 : index
    %get3A_116 = arith.constant 0 : index
    %get3A_117 = vector.load %arg1[%get3A_114, %get3A_115, %get3A_116] : memref<13x128x128xf32, #tpu.memory_space<vmem>>, vector<1x128x128xf32>
    %get3A_118 = vector.shape_cast %get3A_117 : vector<1x128x128xf32> to vector<128x128xf32>
    %get3A_119 = arith.constant 0 : index
    %get3A_120 = arith.constant 10 : index
    %get3A_121 = memref.load %arg2[%get3A_119, %get3A_120] : memref<1x13xf32, #tpu.memory_space<smem>>
    %mul3A_122 = vector.broadcast %get3A_121 : f32 to vector<128x128xf32>
    %mul3A_123 = arith.mulf %get3A_118, %mul3A_122 : vector<128x128xf32>
    %add3A_124 = arith.addf %add3A_113, %mul3A_123 : vector<128x128xf32>
    %get3A_125 = arith.constant 11 : index
    %get3A_126 = arith.constant 0 : index
    %get3A_127 = arith.constant 0 : index
    %get3A_128 = vector.load %arg1[%get3A_125, %get3A_126, %get3A_127] : memref<13x128x128xf32, #tpu.memory_space<vmem>>, vector<1x128x128xf32>
    %get3A_129 = vector.shape_cast %get3A_128 : vector<1x128x128xf32> to vector<128x128xf32>
    %get3A_130 = arith.constant 0 : index
    %get3A_131 = arith.constant 11 : index
    %get3A_132 = memref.load %arg2[%get3A_130, %get3A_131] : memref<1x13xf32, #tpu.memory_space<smem>>
    %mul3A_133 = vector.broadcast %get3A_132 : f32 to vector<128x128xf32>
    %mul3A_134 = arith.mulf %get3A_129, %mul3A_133 : vector<128x128xf32>
    %add3A_135 = arith.addf %add3A_124, %mul3A_134 : vector<128x128xf32>
    %get3A_136 = arith.constant 12 : index
    %get3A_137 = arith.constant 0 : index
    %get3A_138 = arith.constant 0 : index
    %get3A_139 = vector.load %arg1[%get3A_136, %get3A_137, %get3A_138] : memref<13x128x128xf32, #tpu.memory_space<vmem>>, vector<1x128x128xf32>
    %get3A_140 = vector.shape_cast %get3A_139 : vector<1x128x128xf32> to vector<128x128xf32>
    %get3A_141 = arith.constant 0 : index
    %get3A_142 = arith.constant 12 : index
    %get3A_143 = memref.load %arg2[%get3A_141, %get3A_142] : memref<1x13xf32, #tpu.memory_space<smem>>
    %mul3A_144 = vector.broadcast %get3A_143 : f32 to vector<128x128xf32>
    %mul3A_145 = arith.mulf %get3A_140, %mul3A_144 : vector<128x128xf32>
    %add3A_146 = arith.addf %add3A_135, %mul3A_145 : vector<128x128xf32>
    %swap3A = arith.constant 0 : index
    %swap3A_147 = arith.constant 0 : index
    %swap3A_148 = vector.load %arg4[%swap3A, %swap3A_147] : memref<128x128xf32, #tpu.memory_space<vmem>>, vector<128x128xf32>
    tpu.vector_store %arg4[%swap3A, %swap3A_147], %add3A_146 {strides = array<i32>} : memref<128x128xf32, #tpu.memory_space<vmem>>, vector<128x128xf32>,
    return
  }
}

</mosaic_0001>

<sc_bundles>
// kernel: kernel.4.cloned.1.call-start
scs
__scs_entry_jumppad:
0x0: {  	(pc) =	sbr.rel $0x88, $3  }
0x1: {  	(tag) =	ssettag $0x0;
	lr =	simm.s32 $0x1  }
0x2: {  	[smem:$0x3F9C] =	sst lr;
	_ =	strace $0xD0000000  }
0x3: {  	_ = 	snop  }
0x4: {  	_ = 	snop  }
0x5: {  	_ = 	snop  }
0x6: {  	_ = 	snop  }
0x7: {  	_ = 	snop  }
__scs_overlays_trampoline_lowered:
0x8: {  	[smem:$0x3FAB] =	sst s0  }
0x9: {  	[smem:$0x3FAC] =	sst s1  }
0xa: {  	[smem:$0x3FAD] =	sst s2  }
0xb: {  	[smem:$0x3FAE] =	sst s3  }
0xc: {  	[smem:$0x3FAF] =	sst s4  }
0xd: {  	[smem:$0x3FB0] =	sst s5  }
0xe: {  	[smem:$0x3FB1] =	sst s6  }
0xf: {  	[smem:$0x3FB2] =	sst s7  }
0x10: {  	[smem:$0x3FB3] =	sst s8  }
0x11: {  	[smem:$0x3FB4] =	sst s9;
	s0 =	simm.s32 @!p0 $0x0  }
0x12: {  	s1 =	sld [smem:$0x3F9A];
	s0 =	simm.s32 @p0 $0x1  }
0x13: {  	[smem:$0x3FB5] =	sst s0;
	s0 =	simm.s32 @!p1 $0x0  }
0x14: {  	s2 =	sld [smem:$0x3F99];
	s0 =	simm.s32 @p1 $0x1  }
0x15: {  	[smem:$0x3FB6] =	sst s0;
	s0 =	simm.s32 @!p2 $0x0  }
0x16: {  	s3 =	sld [smem:$0x3FDB];
	s0 =	simm.s32 @p2 $0x1  }
0x17: {  	s4 =	simm.s32 $0x1BF5;
	[smem:$0x3FB8] =	sst s0  }
0x18: {  	s0 =	sld [smem:$0x3F9B];
	_ =	swait.ge [sflag:s4], $0x0  }
0x19: {  	s7 =	sld [smem:$0x3F9C]  }
0x1a: {  	s8 =	sadd.s32 $0xFFFFE003, lr  }
0x1b: {  	s9 =	sadd.s32 $0xFFFFFEF7, lr;
	s5 =	simm.s32 $0xFFFFFFFF;
	p2 =	slt.u32 s8, $0xFFFFF086  }
0x1c: {  	p1 =	slt.u32 s9, $0xF7A;
	s5 =	simm.s32 @!p2 $0x0  }
0x1d: {  	s5 =	simm.s32 @p1 $0x1;
	p0 =	seq.s32 s7, s2  }
0x1e: {  	s7 =	smul.u32 @!p0 $0xF7A, s2;
	p2 =	seq.s32 @!p0 s5, $0x0  }
0x1f: {  	s9 =	smul.u32 $0xF7A, s1;
	s8 =	simm.s32 @!p0 $0x1BF5;
	p2 =	por !p2, p0  }
0x20: {  	[sflag:s8] =	ssyncset.s32 @!p0 $0xFFFFF086;
	s6 =	sadd.s32 @!p0 s3, s7;
	s7 =	simm.s32 @!p0 $0x108  }
0x21: {  	s3 =	sadd.s32 s3, s9;
	s6 =	sadd.s32 @!p0 $0x88, s6;
	s7 =	simm.s32 @p2 $0x1082  }
0x22: {  	[simem:s7], [sflag:s8] =	dma.local @!p0 [hbm:s6], $0xF7A  }
0x23: {  	s9 =	sor.u32 $0xD0000000, s2;
	s6 =	simm.s32 $0x108;
	_ =	swait.ge @!p0 [sflag:s8], $0x0  }
0x24: {  	s3 =	sadd.s32 $0x88, s3;
	s6 =	simm.s32 @!p1 $0x1082;
	[sflag:s4] =	ssyncset.s32 $0xFFFFF086  }
0x25: {  	[simem:s6], [sflag:s4] =	dma.local [hbm:s3], $0xF7A  }
0x26: {  	[smem:$0x3F9C] =	sst s1;
	(tag) =	ssettag s2;
	_ =	strace s9  }
0x27: {  	s1 =	sld [smem:$0x3FAC]  }
0x28: {  	s2 =	sld [smem:$0x3FAD]  }
0x29: {  	s4 =	sld [smem:$0x3FAF]  }
0x2a: {  	p0 =	seq.s32 s5, $0x0;
	s5 =	sld [smem:$0x3FB0]  }
0x2b: {  	s6 =	sld [smem:$0x3FB1]  }
0x2c: {  	s7 =	sld [smem:$0x3FB2]  }
0x2d: {  	s3 =	simm.s32 $0x108;
	s8 =	sld [smem:$0x3FB3]  }
0x2e: {  	s3 =	simm.s32 @!p0 $0x1082;
	s9 =	sld [smem:$0x3FB4]  }
0x2f: {  	lr =	sadd.s32 s0, s3;
	s0 =	sld [smem:$0x3FAB]  }
0x30: {  	s3 =	sld [smem:$0x3FAE]  }
0x31: {  	[smem:$0x3FB7] =	sst s10  }
0x32: {  	s10 =	sld [smem:$0x3FB5];
	_ =	sdelay $0x3  }
0x33: {  	p0 =	seq.s32 s10, $0x1;
	s10 =	sld [smem:$0x3FB7];
	_ =	sdelay $0x3  }
0x34: {  	[smem:$0x3FB7] =	sst s10  }
0x35: {  	s10 =	sld [smem:$0x3FB6];
	_ =	sdelay $0x3  }
0x36: {  	p1 =	seq.s32 s10, $0x1;
	s10 =	sld [smem:$0x3FB7];
	_ =	sdelay $0x3  }
0x37: {  	[smem:$0x3FB7] =	sst s10  }
0x38: {  	s10 =	sld [smem:$0x3FB8]  }
0x39: {  	_ = 	snop;
	(pc) =	sbr.ind lr, $3  }
0x3a: {  	_ = 	snop  }
0x3b: {  	_ = 	snop  }
0x3c: {  	p2 =	seq.s32 s10, $0x1;
	s10 =	sld [smem:$0x3FB7]  }
0x3d: {  	_ =	shalt  }
0x3e: {  	_ =	shalt  }
0x3f: {  	_ =	shalt  }
0x40: {  	_ =	shalt  }
0x41: {  	_ =	shalt  }
0x42: {  	_ =	shalt  }
0x43: {  	_ =	shalt  }
0x44: {  	_ =	shalt  }
0x45: {  	_ =	shalt  }
0x46: {  	_ =	shalt  }
0x47: {  	_ =	shalt  }
0x48: {  	_ =	shalt  }
0x49: {  	_ =	shalt  }
0x4a: {  	_ =	shalt  }
0x4b: {  	_ =	shalt  }
0x4c: {  	_ =	shalt  }
0x4d: {  	_ =	shalt  }
0x4e: {  	_ =	shalt  }
0x4f: {  	_ =	shalt  }
0x50: {  	_ =	shalt  }
0x51: {  	_ =	shalt  }
0x52: {  	_ =	shalt  }
0x53: {  	_ =	shalt  }
0x54: {  	_ =	shalt  }
0x55: {  	_ =	shalt  }
0x56: {  	_ =	shalt  }
0x57: {  	_ =	shalt  }
0x58: {  	_ =	shalt  }
0x59: {  	_ =	shalt  }
0x5a: {  	_ =	shalt  }
0x5b: {  	_ =	shalt  }
0x5c: {  	_ =	shalt  }
0x5d: {  	_ =	shalt  }
0x5e: {  	_ =	shalt  }
0x5f: {  	_ =	shalt  }
0x60: {  	_ =	shalt  }
0x61: {  	_ =	shalt  }
0x62: {  	_ =	shalt  }
0x63: {  	_ =	shalt  }
0x64: {  	_ =	shalt  }
0x65: {  	_ =	shalt  }
0x66: {  	_ =	shalt  }
0x67: {  	_ =	shalt  }
0x68: {  	_ =	shalt  }
0x69: {  	_ =	shalt  }
0x6a: {  	_ =	shalt  }
0x6b: {  	_ =	shalt  }
0x6c: {  	_ =	shalt  }
0x6d: {  	_ =	shalt  }
0x6e: {  	_ =	shalt  }
0x6f: {  	_ =	shalt  }
0x70: {  	_ =	shalt  }
0x71: {  	_ =	shalt  }
0x72: {  	_ =	shalt  }
0x73: {  	_ =	shalt  }
0x74: {  	_ =	shalt  }
0x75: {  	_ =	shalt  }
0x76: {  	_ =	shalt  }
0x77: {  	_ =	shalt  }
0x78: {  	_ =	shalt  }
0x79: {  	_ =	shalt  }
0x7a: {  	_ =	shalt  }
0x7b: {  	_ =	shalt  }
0x7c: {  	_ =	shalt  }
0x7d: {  	_ =	shalt  }
0x7e: {  	_ =	shalt  }
0x7f: {  	_ =	shalt  }
0x80: {  	_ =	shalt  }
0x81: {  	_ =	shalt  }
0x82: {  	_ =	shalt  }
0x83: {  	_ =	shalt  }
0x84: {  	_ =	shalt  }
0x85: {  	_ =	shalt  }
0x86: {  	_ =	shalt  }
0x87: {  	_ =	shalt  }
.Lfunc_end0:
.L_simem_size_0:
called_computation_lowered:
.L_overlay_start_0:
0x88: {  	s2 =	sld [smem:$0x3FD9]  }
0x89: {  	s3 =	sld [smem:$0x3FFE];
	_ =	sdelay $0x1  }
0x8a: {  	s1 =	srdreg.scid  }
0x8b: {  	s0 =	sand.u32 $0x1, s1  }
0x8c: {  	s17 =	sshll.u32 s0, $0xA;
	s2 =	sadd.s32 s3, s2  }
0x8d: {  	s2 =	sadd.s32 s2, s17  }
0x8e: {  	[smem:$0x3FC3] =	sst s2  }
0x8f: {  	_ = 	snop  }
0x90: {  	s2 =	sld [smem:$0x3FC7]  }
0x91: {  	s18 =	sld [smem:$0x3FD0];
	(tm) =	ssettm $0x1  }
0x92: {  	s4 =	sld [smem:$0x3FFB];
	_ =	sdelay $0x3  }
0x93: {  	_ =	strace s4  }
0x94: {  	s4 =	sld [smem:$0x3FFC];
	_ =	sdelay $0x3  }
0x95: {  	_ =	strace s4  }
0x96: {  	s4 =	sld [smem:$0x3FFD];
	_ =	sdelay $0x3  }
0x97: {  	_ =	strace s4  }
0x98: {  	_ =	strace $0x8FFFFFFF  }
0x99: {  	s19 =	sld [smem:$0x3FDB];
	_ =	sdelay $0x1  }
0x9a: {  	s5 =	simm.s32 $_scs_section_size  }
0x9b: {  	s6 =	simm.s32 $_size__tile_overlayer_lowered;
	s7 =	simm.s32 $_tile_overlayer_lowered  }
0x9c: {  	s22 =	simm.s32 $0x1BFF;
	s21 =	sshll.u32 s7, $0x1;
	s4 =	sadd.s32 s5, s19  }
0x9d: {  	s8 =	simm.s32 $0x0;
	s20 =	sshll.u32 s6, $0x1;
	s6 =	sadd.s32 s21, s4  }
0x9e: {  	[timem:s8], [sflag:s22] =	dma.local [hbm:s6], s20  }
0x9f: {  	_ =	swait.ge [sflag:s22], s20  }
0xa0: {  	s5 =	ssub.s32 $0x0, s20;
	[sflag:s22] =	ssyncset.done $0x0  }
0xa1: {  	[sflag:s22] =	ssyncadd.s32 s5;
	_ =	sdelay $0x1  }
0xa2: {  	s23 =	simm.s32 $0x1B8B  }
0xa3: {  	_ =	swait.ge [sflag:s23], $0x1  }
0xa4: {  	[sflag:s23] =	ssyncset.done $0x0  }
0xa5: {  	s25 =	simm.s32 $0x1B8E;
	s24 =	sld [smem:$0x3FFE];
	[sflag:s23] =	ssyncadd.s32 $0xFFFFFFFF  }
0xa6: {  	s26 =	simm.s32 $execute0_lowered;
	[smem:$0x3FD2] =	sst s25  }
0xa7: {  	s6 =	sshll.u32 s26, $0x1;
	_ =	strace $0x80000046;
	[dreg:$0x1] =	wrdreg $0xFFFFFFFF  }
0xa8: {  	s28 =	simm.s32 $_size_execute0_lowered;
	s4 =	sadd.s32 s4, s6;
	[dreg:$0x0] =	wrdreg $0x0  }
0xa9: {  	s6 =	sshll.u32 s28, $0x1;
	[dreg:$0x2] =	wrdreg s4  }
0xaa: {  	[dreg:$0x3] =	wrdreg s6  }
0xab: {  	[dreg:$0x4] =	wrdreg $0xC0  }
0xac: {  	_ =	task [dreg:s8], $0x5FFFF  }
0xad: {  	[dreg:$0x1] =	wrdreg $0xFFFFFFFF  }
0xae: {  	[dreg:$0x0] =	wrdreg $0x60  }
0xaf: {  	[dreg:$0x2] =	wrdreg s24  }
0xb0: {  	[dreg:$0x3] =	wrdreg s2  }
0xb1: {  	[dreg:$0x4] =	wrdreg s18  }
0xb2: {  	[dreg:$0x5] =	wrdreg $0x9  }
0xb3: {  	_ =	task.clear_ibuf [dreg:s8], $0x6FFFF;
	_ =	strace $0x90000046  }
0xb4: {  	s29 =	simm.s32 $0x9;
	_ =	strace $0x80000048  }
0xb5: {  	_ =	swait.ge [sflag:s29], $0x1  }
0xb6: {  	[sflag:s29] =	ssyncadd.s32 $0xFFFFFFFF  }
0xb7: {  	_ =	strace $0x90000048  }
0xb8: {  	_ =	sfence  }
0xb9: {  	s30 =	sld [smem:$0x0];
	_ =	sdelay $0x2  }
0xba: {  	s31 =	sshll.u32 s1, $0xD;
	s1 =	sshrl.u32 s1, $0x2  }
0xbb: {  	s3 =	sand.u32 $0x4000, s31;
	s1 =	sadd.s32 s1, s30  }
0xbc: {  	s0 =	sor.u32 s3, s0;
	s1 =	sshll.u32 s1, $0x11  }
0xbd: {  	s0 =	sor.u32 s1, s0  }
0xbe: {  	s0 =	sadd.s32 $0x8F2B, s0  }
0xbf: {  	[sflag:s0] =	ssyncadd.remote.s32 $0x1  }
0xc0: {  	_ =	sfence.sel $0xFFFF  }
0xc1: {  	[dreg:$0x0] =	wrdreg $0xFFFFFFFF;
	(pc) =	sbr.abs _section_cstart, $3  }
0xc2: {  	[dreg:$0x1] =	wrdreg $0xFFFFFFFF  }
0xc3: {  	_ =	task.clear_ibuf [dreg:s8], $0x2FFFF;
	_ =	strace $0x9FFFFFFF  }
0xc4: {  	(tm) =	ssettm $0x7FFFFFFF  }
0xc5: {  	_ =	shalt  }
tec
execute0_lowered:
.L_overlay_start_1:
0x0: {  	(tag) =	ssettag $0x1  }
0x1: {  	s5 =	rddreg [dreg:$0x0]  }
0x2: {  	s1 =	srdreg.scid;
	s2 =	rddreg [dreg:$0x1]  }
0x3: {  	s0 =	stileid.u32;
	s8 =	rddreg [dreg:$0x2];
	s3 =	simm.s32 $0x0  }
0x4: {  	s10 =	simm.s32 $0xC00;
	s11 =	simm.s32 $0xE00;
	s12 =	simm.s32 $0x4000  }
0x5: {  	s13 =	simm.s32 $0x1A00;
	s14 =	simm.s32 $0x4E00;
	s15 =	simm.s32 $0x2600  }
0x6: {  	s16 =	simm.s32 $0x5A00;
	s17 =	simm.s32 $0x1;
	s18 =	simm.s32 $0x2  }
0x7: {  	s19 =	simm.s32 $0x3;
	s4 =	sand.u32 $0x1, s1;
	s26 =	sshll.u32 s0, $0x1  }
0x8: {  	s20 =	simm.s32 $0x4;
	s28 =	sshrl.u32 s0, $0x2;
	s6 =	sor.u32 s4, s26  }
0x9: {  	s21 =	simm.s32 $0x6800;
	s7 =	smul.u32 $0x1A000, s28;
	s29 =	sshll.u32 s6, $0x7  }
0xa: {  	s22 =	simm.s32 $0x0;
	s1 =	rddreg [dreg:$0x3];
	s9 =	sand.u32 $0x380, s29  }
0xb: {  	[smem:$0x7FF] =	sst s3;
	s4 =	ssub.s32 $0x2, s4;
	s7 =	sor.u32 s7, s9  }
0xc: {  	_ =	strace $0x80000047;
	s30 =	sshrl.u32 s4, $0x1;
	s7 =	sshrl.u32 s7, $0x3  }
0xd: {  	s31 =	sshll.u32 s6, $0x6;
	s9 =	simm.s32 $0x5;
	s5 =	sadd.s32 s7, s5  }
0xe: {  	s7 =	ssub.s32 s4, s30;
	s4 =	sadd.s32 $0xA00, s5;
	s5 =	sadd.s32 s8, s31  }
0xf: {  	s6 =	smax.u32 s7, $0x1;
	s7 =	simm.s32 $0x80;
	s8 =	simm.s32 $0x400  }
.LBB2_1:
0x10: {  	[tilespmem:s3], [sflag:$0x5] =	stream.strided.gather [hbm4b:s4+s7], $0x3400, s8, s7, $0x38;
	[tilespmem:$0x6A00] =	vst v63  }
0x11: {  	_ =	swait.ge [sflag:s9], $0x3400  }
0x12: {  	[sflag:s9] =	ssyncset.done $0x0  }
0x13: {  	s23 =	simm.s32 $0x3400;
	[sflag:s9] =	ssyncadd.s32 $0xFFFFCC00  }
0x14: {  	[tilespmem:s23], [sflag:$0x1] =	stream.indirect.gather [hbm4b:s2+s10], $0x1, s3, s10, $0xb8;
	[tilespmem:$0x6A00] =	vst v63  }
0x15: {  	_ = 	snop  }
0x16: {  	[tilespmem:s12], [sflag:$0x2] =	stream.indirect.gather [hbm4b:s2+s11], $0x1, s10, s11, $0xb8;
	[tilespmem:$0x6A00] =	vst v63  }
0x17: {  	_ = 	snop  }
0x18: {  	[tilespmem:s14], [sflag:$0x3] =	stream.indirect.gather [hbm4b:s2+s10], $0x1, s13, s10, $0xb8;
	[tilespmem:$0x6A00] =	vst v63  }
0x19: {  	_ = 	snop  }
0x1a: {  	[tilespmem:s16], [sflag:$0x4] =	stream.indirect.gather [hbm4b:s2+s11], $0x1, s15, s11, $0xb8;
	[tilespmem:$0x6A00] =	vst v63  }
0x1b: {  	_ =	swait.ge [sflag:s17], $0xC00  }
0x1c: {  	[sflag:s17] =	ssyncset.done $0x0  }
0x1d: {  	s24 =	sand.u32 $0x1F0, s3;
	[sflag:s17] =	ssyncadd.s32 $0xFFFFF400  }
0x1e: {  	v0 =	vld [tilespmem:s24+$0x3600]  }
0x1f: {  	v1 =	vld [tilespmem:s23+$0x0];
	_ =	sdelay $0x1  }
0x20: {  	v2 =	vld [tilespmem:s24+$0x3800];
	_ =	sdelay $0x1  }
0x21: {  	v3 =	vld [tilespmem:s24+$0x3A00]  }
0x22: {  	v0 =	vadd.f32 v0, v1  }
0x23: {  	v1 =	vld [tilespmem:s24+$0x3C00]  }
0x24: {  	v0 =	vadd.f32 v2, v0  }
0x25: {  	v2 =	vld [tilespmem:s24+$0x3E00]  }
0x26: {  	v0 =	vadd.f32 v3, v0;
	_ =	sdelay $0x1  }
0x27: {  	v0 =	vadd.f32 v1, v0;
	_ =	sdelay $0x1  }
0x28: {  	v0 =	vadd.f32 v2, v0  }
0x29: {  	s31 =	simm.s32 $0x10  }
0x2a: {  	s26 =	sand.u32 $0x1F0, s31;
	[tilespmem:s21+$0x0] =	vst v0  }
0x2b: {  	s25 =	simm.s32 $0x20;
	s23 =	simm.s32 $0x6800;
	s24 =	simm.s32 $0x3410;
	v0 =	vld [tilespmem:s26+$0x3600]  }
.LBB2_2:
0x2c: {  	p0 =	sne.s32 s25, $0x1F0;
	v1 =	vld [tilespmem:s24+$0x0];
	_ =	sdelay $0x1  }
0x2d: {  	v2 =	vld [tilespmem:s26+$0x3800];
	_ =	sdelay $0x1  }
0x2e: {  	v3 =	vld [tilespmem:s26+$0x3A00]  }
0x2f: {  	v0 =	vadd.f32 v0, v1  }
0x30: {  	v1 =	vld [tilespmem:s26+$0x3C00]  }
0x31: {  	v0 =	vadd.f32 v2, v0  }
0x32: {  	v2 =	vld [tilespmem:s26+$0x3E00]  }
0x33: {  	v0 =	vadd.f32 v3, v0;
	_ =	sdelay $0x1  }
0x34: {  	v0 =	vadd.f32 v1, v0  }
.Ltmp0:
0x35: {  	(pc) =	sbr.rel @p0 .LBB2_2-.Ltmp0, $4  }
0x36: {  	v0 =	vadd.f32 v2, v0  }
0x37: {  	s23 =	sadd.s32 $0x10, s23  }
0x38: {  	s26 =	sand.u32 $0x1F0, s25;
	[tilespmem:s23+$0x0] =	vst v0  }
0x39: {  	s24 =	sadd.s32 $0x10, s24;
	s25 =	sadd.s32 $0x10, s25;
	v0 =	vld [tilespmem:s26+$0x3600]  }
0x3a: {  	v1 =	vld [tilespmem:s24+$0x0];
	_ =	sdelay $0x1  }
0x3b: {  	v2 =	vld [tilespmem:s26+$0x3800];
	_ =	sdelay $0x1  }
0x3c: {  	v3 =	vld [tilespmem:s26+$0x3A00]  }
0x3d: {  	v0 =	vadd.f32 v0, v1  }
0x3e: {  	v1 =	vld [tilespmem:s26+$0x3C00]  }
0x3f: {  	v0 =	vadd.f32 v2, v0  }
0x40: {  	v2 =	vld [tilespmem:s26+$0x3E00]  }
0x41: {  	v0 =	vadd.f32 v3, v0;
	_ =	sdelay $0x1  }
0x42: {  	v0 =	vadd.f32 v1, v0;
	_ =	sdelay $0x1  }
0x43: {  	v0 =	vadd.f32 v2, v0  }
0x44: {  	s23 =	sadd.s32 $0x10, s23  }
0x45: {  	[tilespmem:s23+$0x0] =	vst v0  }
0x46: {  	_ =	swait.ge [sflag:s18], $0xE00  }
0x47: {  	s31 =	simm.s32 $0x0;
	[sflag:s18] =	ssyncset.done $0x0  }
0x48: {  	s24 =	sand.u32 $0x1F0, s31;
	[sflag:s18] =	ssyncadd.s32 $0xFFFFF200  }
0x49: {  	s25 =	simm.s32 $0x10;
	s23 =	simm.s32 $0x6800;
	v0 =	vld [tilespmem:s24+$0x4000]  }
.LBB2_4:
0x4a: {  	p0 =	sne.s32 s25, $0x1F0;
	v1 =	vld [tilespmem:s23+$0x0];
	_ =	sdelay $0x1  }
0x4b: {  	v2 =	vld [tilespmem:s24+$0x4200];
	_ =	sdelay $0x1  }
0x4c: {  	v3 =	vld [tilespmem:s24+$0x4400]  }
0x4d: {  	v0 =	vadd.f32 v0, v1  }
0x4e: {  	v1 =	vld [tilespmem:s24+$0x4600]  }
0x4f: {  	v0 =	vadd.f32 v2, v0  }
0x50: {  	v2 =	vld [tilespmem:s24+$0x4800]  }
0x51: {  	v0 =	vadd.f32 v3, v0  }
0x52: {  	v3 =	vld [tilespmem:s24+$0x4A00]  }
0x53: {  	v0 =	vadd.f32 v1, v0  }
0x54: {  	v1 =	vld [tilespmem:s24+$0x4C00]  }
0x55: {  	v0 =	vadd.f32 v2, v0;
	_ =	sdelay $0x1  }
0x56: {  	v0 =	vadd.f32 v3, v0  }
.Ltmp1:
0x57: {  	(pc) =	sbr.rel @p0 .LBB2_4-.Ltmp1, $3  }
0x58: {  	v0 =	vadd.f32 v1, v0;
	_ =	sdelay $0x1  }
0x59: {  	s24 =	sand.u32 $0x1F0, s25;
	[tilespmem:s23+$0x0] =	vst v0  }
0x5a: {  	s25 =	sadd.s32 $0x10, s25;
	s23 =	sadd.s32 $0x10, s23;
	v0 =	vld [tilespmem:s24+$0x4000]  }
0x5b: {  	v1 =	vld [tilespmem:s23+$0x0];
	_ =	sdelay $0x1  }
0x5c: {  	v2 =	vld [tilespmem:s24+$0x4200];
	_ =	sdelay $0x1  }
0x5d: {  	v3 =	vld [tilespmem:s24+$0x4400]  }
0x5e: {  	v0 =	vadd.f32 v0, v1  }
0x5f: {  	v1 =	vld [tilespmem:s24+$0x4600]  }
0x60: {  	v0 =	vadd.f32 v2, v0  }
0x61: {  	v2 =	vld [tilespmem:s24+$0x4800]  }
0x62: {  	v0 =	vadd.f32 v3, v0  }
0x63: {  	v3 =	vld [tilespmem:s24+$0x4A00]  }
0x64: {  	v0 =	vadd.f32 v1, v0  }
0x65: {  	v1 =	vld [tilespmem:s24+$0x4C00]  }
0x66: {  	v0 =	vadd.f32 v2, v0;
	_ =	sdelay $0x1  }
0x67: {  	v0 =	vadd.f32 v3, v0;
	_ =	sdelay $0x1  }
0x68: {  	v0 =	vadd.f32 v1, v0;
	_ =	sdelay $0x1  }
0x69: {  	[tilespmem:s23+$0x0] =	vst v0  }
0x6a: {  	_ =	swait.ge [sflag:s19], $0xC00  }
0x6b: {  	s31 =	simm.s32 $0x0;
	[sflag:s19] =	ssyncset.done $0x0  }
0x6c: {  	s24 =	sand.u32 $0x1F0, s31;
	[sflag:s19] =	ssyncadd.s32 $0xFFFFF400  }
0x6d: {  	s25 =	simm.s32 $0x10;
	s23 =	simm.s32 $0x6800;
	v0 =	vld [tilespmem:s24+$0x4E00]  }
.LBB2_6:
0x6e: {  	p0 =	sne.s32 s25, $0x1F0;
	v1 =	vld [tilespmem:s23+$0x0];
	_ =	sdelay $0x1  }
0x6f: {  	v2 =	vld [tilespmem:s24+$0x5000];
	_ =	sdelay $0x1  }
0x70: {  	v3 =	vld [tilespmem:s24+$0x5200]  }
0x71: {  	v0 =	vadd.f32 v0, v1  }
0x72: {  	v1 =	vld [tilespmem:s24+$0x5400]  }
0x73: {  	v0 =	vadd.f32 v2, v0  }
0x74: {  	v2 =	vld [tilespmem:s24+$0x5600]  }
0x75: {  	v0 =	vadd.f32 v3, v0  }
0x76: {  	v3 =	vld [tilespmem:s24+$0x5800]  }
0x77: {  	v0 =	vadd.f32 v1, v0;
	_ =	sdelay $0x1  }
0x78: {  	v0 =	vadd.f32 v2, v0  }
.Ltmp2:
0x79: {  	(pc) =	sbr.rel @p0 .LBB2_6-.Ltmp2, $3  }
0x7a: {  	v0 =	vadd.f32 v3, v0;
	_ =	sdelay $0x1  }
0x7b: {  	s24 =	sand.u32 $0x1F0, s25;
	[tilespmem:s23+$0x0] =	vst v0  }
0x7c: {  	s25 =	sadd.s32 $0x10, s25;
	s23 =	sadd.s32 $0x10, s23;
	v0 =	vld [tilespmem:s24+$0x4E00]  }
0x7d: {  	v1 =	vld [tilespmem:s23+$0x0];
	_ =	sdelay $0x1  }
0x7e: {  	v2 =	vld [tilespmem:s24+$0x5000];
	_ =	sdelay $0x1  }
0x7f: {  	v3 =	vld [tilespmem:s24+$0x5200]  }
0x80: {  	v0 =	vadd.f32 v0, v1  }
0x81: {  	v1 =	vld [tilespmem:s24+$0x5400]  }
0x82: {  	v0 =	vadd.f32 v2, v0  }
0x83: {  	v2 =	vld [tilespmem:s24+$0x5600]  }
0x84: {  	v0 =	vadd.f32 v3, v0  }
0x85: {  	v3 =	vld [tilespmem:s24+$0x5800]  }
0x86: {  	v0 =	vadd.f32 v1, v0;
	_ =	sdelay $0x1  }
0x87: {  	v0 =	vadd.f32 v2, v0;
	_ =	sdelay $0x1  }
0x88: {  	v0 =	vadd.f32 v3, v0;
	_ =	sdelay $0x1  }
0x89: {  	[tilespmem:s23+$0x0] =	vst v0  }
0x8a: {  	_ =	swait.ge [sflag:s20], $0xE00  }
0x8b: {  	s31 =	simm.s32 $0x0;
	[sflag:s20] =	ssyncset.done $0x0  }
0x8c: {  	s24 =	sand.u32 $0x1F0, s31;
	[sflag:s20] =	ssyncadd.s32 $0xFFFFF200  }
0x8d: {  	s25 =	simm.s32 $0x10;
	s23 =	simm.s32 $0x6800;
	v0 =	vld [tilespmem:s24+$0x5A00]  }
.LBB2_8:
0x8e: {  	p0 =	sne.s32 s25, $0x1F0;
	v1 =	vld [tilespmem:s23+$0x0];
	_ =	sdelay $0x1  }
0x8f: {  	v2 =	vld [tilespmem:s24+$0x5C00];
	_ =	sdelay $0x1  }
0x90: {  	v3 =	vld [tilespmem:s24+$0x5E00]  }
0x91: {  	v0 =	vadd.f32 v0, v1  }
0x92: {  	v1 =	vld [tilespmem:s24+$0x6000]  }
0x93: {  	v0 =	vadd.f32 v2, v0  }
0x94: {  	v2 =	vld [tilespmem:s24+$0x6200]  }
0x95: {  	v0 =	vadd.f32 v3, v0  }
0x96: {  	v3 =	vld [tilespmem:s24+$0x6400]  }
0x97: {  	v0 =	vadd.f32 v1, v0  }
0x98: {  	v1 =	vld [tilespmem:s24+$0x6600]  }
0x99: {  	v0 =	vadd.f32 v2, v0;
	_ =	sdelay $0x1  }
0x9a: {  	v0 =	vadd.f32 v3, v0  }
.Ltmp3:
0x9b: {  	(pc) =	sbr.rel @p0 .LBB2_8-.Ltmp3, $3  }
0x9c: {  	v0 =	vadd.f32 v1, v0;
	_ =	sdelay $0x1  }
0x9d: {  	s24 =	sand.u32 $0x1F0, s25;
	[tilespmem:s23+$0x0] =	vst v0  }
0x9e: {  	s25 =	sadd.s32 $0x10, s25;
	s23 =	sadd.s32 $0x10, s23;
	v0 =	vld [tilespmem:s24+$0x5A00]  }
0x9f: {  	v1 =	vld [tilespmem:s23+$0x0];
	_ =	sdelay $0x1  }
0xa0: {  	v2 =	vld [tilespmem:s24+$0x5C00];
	_ =	sdelay $0x1  }
0xa1: {  	v3 =	vld [tilespmem:s24+$0x5E00]  }
0xa2: {  	v0 =	vadd.f32 v0, v1  }
0xa3: {  	v60 =	vld [tilespmem:s24+$0x6000]  }
0xa4: {  	v0 =	vadd.f32 v2, v0  }
0xa5: {  	v61 =	vld [tilespmem:s24+$0x6200]  }
0xa6: {  	v0 =	vadd.f32 v3, v0  }
0xa7: {  	v62 =	vld [tilespmem:s24+$0x6400]  }
0xa8: {  	v0 =	vadd.f32 v60, v0  }
0xa9: {  	v63 =	vld [tilespmem:s24+$0x6600]  }
0xaa: {  	v0 =	vadd.f32 v61, v0;
	_ =	sdelay $0x1  }
0xab: {  	v0 =	vadd.f32 v62, v0;
	_ =	sdelay $0x1  }
0xac: {  	s22 =	sadd.s32 $0x1, s22;
	v0 =	vadd.f32 v63, v0  }
0xad: {  	p0 =	sne.s32 s22, s6  }
.Ltmp4:
0xae: {  	[tilespmem:s23+$0x0] =	vst v0;
	(pc) =	sbr.rel @p0 .LBB2_1-.Ltmp4, $4  }
0xaf: {  	[hbm4b:s5+s3] =	stream.linear.scatter [tilespmem:s21], [sflag:$0x5], $0x200, $0x38;
	[tilespmem:$0x6A00] =	vst v63  }
0xb0: {  	_ =	swait.ge [sflag:s9], $0x200  }
0xb1: {  	[sflag:s9] =	ssyncset.done $0x0  }
0xb2: {  	[sflag:s9] =	ssyncadd.s32 $0xFFFFFE00  }
0xb3: {  	_ =	sfence.sel $0x180000  }
0xb4: {  	[bflag:$0x0] =	sbarrier.arrive $0xFFFF  }
0xb5: {  	p0 =	sne.s32 s0, $0x0;
	_ =	strace $0x90000047  }
0xb6: {  	s0 =	sadd.s32 @!p0 $0x100000, s1;
	[bflag:$0x2] =	sbarrier.arrive $0xFFFF  }
0xb7: {  	[sflag:s0] =	ssyncadd.tile.s32 @!p0 $0x1;
	_ =	shalt  }
.Lfunc_end2:
_tile_overlayer_lowered:
.L_overlay_start_2:
0xb8: {  	(tag) =	ssettag $0x2  }
0xb9: {  	s0 =	rddreg [dreg:$0x0];
	s2 =	stileid.u32  }
0xba: {  	s1 =	rddreg [dreg:$0x1];
	p0 =	sne.s32 s2, $0x0  }
0xbb: {  	s3 =	rddreg [dreg:$0x2];
	[bflag:$0x3] =	sbarrier.arrive $0xFFFF;
	s2 =	simm.s32 @!p0 $0x1C05  }
0xbc: {  	[timem:s3], [sflag:s2] =	dma.local @!p0 [hbm:s0], s1  }
0xbd: {  	s0 =	simm.s32 @!p0 $0x5  }
0xbe: {  	_ =	swait.ge @!p0 [sflag:s0], s1  }
0xbf: {  	s1 =	ssub.s32 @!p0 $0x0, s1;
	[sflag:s0] =	ssyncset.done @!p0 $0x0  }
0xc0: {  	[sflag:s0] =	ssyncadd.s32 @!p0 s1  }
0xc1: {  	[bflag:$0x3] =	sbarrier.arrive $0xFFFF  }
0xc2: {  	_ =	shalt  }

</sc_bundles>
